<compile_context>
chip_gen: v7x
topology: tpu7x:2x2x1
jax: 0.10.2.dev20260603
libtpu: 0.0.44.dev20260713+nightly
codegen_flags: <defaults>
</compile_context>

<pallas_src>
import jax
import jax.numpy as jnp
from jax import lax
from jax.experimental import pallas as pl
from jax.experimental.pallas import tpu as pltpu
from jax.experimental.pallas import tpu_sc as plsc

VOCAB = 100000
MODEL_DIM = 128
BATCH = 4
SEQ_LEN = 8192

_NUM_WORKERS = 32
_CHUNK = SEQ_LEN // _NUM_WORKERS
_GATHER = 128
_G_PER_CHUNK = _CHUNK // _GATHER
_NBUF = 5


_N_CHUNKS_TOT = BATCH * _G_PER_CHUNK


def _frontend_body(x_hbm, emb_hbm, pos_hbm, out_hbm, idx_v, pos_sh, acc_v,
                   sem_i, sem_st, *sems):
    sem_p = sems[0:_NBUF]
    sem_g = sems[_NBUF:2 * _NBUF]
    sem_s = sems[2 * _NBUF:3 * _NBUF]
    c = lax.axis_index("c")
    s = lax.axis_index("s")
    wid = s * 2 + c
    idx_cp = [
        pltpu.async_copy(
            x_hbm.at[b].at[pl.ds(wid * _CHUNK, _CHUNK)],
            idx_v.at[pl.ds(b * _CHUNK, _CHUNK)], sem_i)
        for b in range(BATCH)
    ]
    stage_cp = [pltpu.async_copy(
        pos_hbm.at[pl.ds(wid * _CHUNK, _CHUNK)], pos_sh.at[s], sem_st)]

    def pos_load(ck, buf):
        j = ck % _G_PER_CHUNK
        if ck < _NBUF:
            return pltpu.async_copy(
                pos_hbm.at[pl.ds(wid * _CHUNK + j * _GATHER, _GATHER)],
                acc_v.at[buf], sem_p[buf])
        if stage_cp[0] is not None:
            stage_cp[0].wait()
            stage_cp[0] = None
        return pltpu.async_copy(
            pos_sh.at[s].at[pl.ds(j * _GATHER, _GATHER)],
            acc_v.at[buf], sem_p[buf])

    pos_cp = [None] * _NBUF
    g_cp = [None] * _NBUF
    st_cp = [None] * _NBUF

    pending = []

    def retire(r):
        rbuf = r % _NBUF
        g_cp[rbuf].wait()
        b, j = r // _G_PER_CHUNK, r % _G_PER_CHUNK
        st_cp[rbuf] = pltpu.async_copy(
            acc_v.at[rbuf],
            out_hbm.at[b].at[pl.ds(wid * _CHUNK + j * _GATHER, _GATHER)],
            sem_s[rbuf])
        nxt = r + _NBUF
        if nxt < _N_CHUNKS_TOT:
            pending.append((nxt, rbuf))

    for ck in range(_NBUF):
        pos_cp[ck] = pos_load(ck, ck)
    for cp in idx_cp:
        cp.wait()
    for ck in range(_N_CHUNKS_TOT):
        buf = ck % _NBUF
        for (nxt, nbuf) in pending:
            st_cp[nbuf].wait()
            pos_cp[nbuf] = pos_load(nxt, nbuf)
        pending.clear()
        pos_cp[buf].wait()
        g_cp[buf] = pltpu.async_copy(
            emb_hbm.at[idx_v.at[pl.ds(ck * _GATHER, _GATHER)]],
            acc_v.at[buf], sem_g[buf], add=True)
        if ck - (_NBUF - 1) >= 0:
            retire(ck - (_NBUF - 1))
    for r in range(_N_CHUNKS_TOT - _NBUF + 1, _N_CHUNKS_TOT):
        retire(r)
    for cp in st_cp:
        if cp is not None:
            cp.wait()


@jax.jit
def kernel(x, embed_weight, pos_weight):
    mesh = plsc.VectorSubcoreMesh(core_axis_name="c", subcore_axis_name="s")
    return pl.kernel(
        _frontend_body,
        out_type=jax.ShapeDtypeStruct((BATCH, SEQ_LEN, MODEL_DIM), jnp.float32),
        mesh=mesh,
        scratch_types=[
            pltpu.VMEM((BATCH * _CHUNK,), jnp.int32),
            pltpu.VMEM_SHARED((16, _CHUNK, MODEL_DIM), jnp.float32),
            pltpu.VMEM((_NBUF, _GATHER, MODEL_DIM), jnp.float32),
        ] + [pltpu.SemaphoreType.DMA] * (2 + 3 * _NBUF),
    )(x.astype(jnp.int32), embed_weight, pos_weight)

# --- scband reference (transcript-rebuilt; emitter-appended) ---
"""Pipeline reference for scband-transformer-frontend-50740743635567 (READ-ONLY COPY).

The authoritative reference and input builder live on the scoring server;
editing this copy changes nothing except your own understanding.
"""

import jax, jax.numpy as jnp
import numpy as np

VOCAB = 100000
MODEL_DIM = 128
BATCH = 4
SEQ_LEN = 8192
MAX_POS = 8192
INIT_STD = 0.02


def setup_inputs(seed: int = 0) -> dict:
    key = jax.random.key(seed)
    k_x, k_emb, k_pos = jax.random.split(key, 3)
    x = jax.random.randint(k_x, (BATCH, SEQ_LEN), 0, VOCAB, dtype=jnp.int64) if jax.config.jax_enable_x64 else jax.random.randint(k_x, (BATCH, SEQ_LEN), 0, VOCAB, dtype=jnp.int32)
    embed_weight = jax.random.normal(k_emb, (VOCAB, MODEL_DIM), dtype=jnp.float32) * INIT_STD
    pos_weight = jax.random.normal(k_pos, (MAX_POS, MODEL_DIM), dtype=jnp.float32) * INIT_STD
    return {"x": x, "embed_weight": embed_weight, "pos_weight": pos_weight}


def reference(x, embed_weight, pos_weight):
    # TransformerFrontend.forward: embedding lookup + positional embedding add
    seqlen = x.shape[1]
    h = jnp.take(embed_weight, x, axis=0)                # gather: [B, S, D]
    positions = jnp.arange(0, seqlen, dtype=jnp.int32)   # [S]
    pos = jnp.take(pos_weight, positions, axis=0)        # gather: [S, D]
    h = h + pos[None, :, :]
    # dropout_p == 0.0 -> dropout module is None, no-op
    return h

if __name__ == "__main__":
    import jax
    _d = setup_inputs()
    print(jax.jit(kernel)(*tuple(_d.values())))

</pallas_src>

<mosaic_0001>
#map = affine_map<(d0, d1) -> (0, 0)>
#map1 = affine_map<(d0, d1) -> (0, 0, 0)>
module attributes {stable_mosaic.version = 14 : i64} {
  func.func @_frontend_body(%arg0: i32, %arg1: i32, %arg2: memref<4x8192xi32, #tpu.memory_space<hbm>>, %arg3: memref<100000x128xf32, #tpu.memory_space<hbm>>, %arg4: memref<8192x128xf32, #tpu.memory_space<hbm>>, %arg5: memref<4x8192x128xf32, #tpu.memory_space<hbm>>, %arg6: memref<1024xi32, #tpu.memory_space<vmem>>, %arg7: memref<16x256x128xf32, #tpu.memory_space<vmem_shared>>, %arg8: memref<5x128x128xf32, #tpu.memory_space<vmem>>, %arg9: memref<!tpu.dma_semaphore, #tpu.memory_space<semaphore_mem>>, %arg10: memref<!tpu.dma_semaphore, #tpu.memory_space<semaphore_mem>>, %arg11: memref<!tpu.dma_semaphore, #tpu.memory_space<semaphore_mem>>, %arg12: memref<!tpu.dma_semaphore, #tpu.memory_space<semaphore_mem>>, %arg13: memref<!tpu.dma_semaphore, #tpu.memory_space<semaphore_mem>>, %arg14: memref<!tpu.dma_semaphore, #tpu.memory_space<semaphore_mem>>, %arg15: memref<!tpu.dma_semaphore, #tpu.memory_space<semaphore_mem>>, %arg16: memref<!tpu.dma_semaphore, #tpu.memory_space<semaphore_mem>>, %arg17: memref<!tpu.dma_semaphore, #tpu.memory_space<semaphore_mem>>, %arg18: memref<!tpu.dma_semaphore, #tpu.memory_space<semaphore_mem>>, %arg19: memref<!tpu.dma_semaphore, #tpu.memory_space<semaphore_mem>>, %arg20: memref<!tpu.dma_semaphore, #tpu.memory_space<semaphore_mem>>, %arg21: memref<!tpu.dma_semaphore, #tpu.memory_space<semaphore_mem>>, %arg22: memref<!tpu.dma_semaphore, #tpu.memory_space<semaphore_mem>>, %arg23: memref<!tpu.dma_semaphore, #tpu.memory_space<semaphore_mem>>, %arg24: memref<!tpu.dma_semaphore, #tpu.memory_space<semaphore_mem>>, %arg25: memref<!tpu.dma_semaphore, #tpu.memory_space<semaphore_mem>>) attributes {dimension_semantics = [#tpu.dimension_semantics<core_parallel>, #tpu.dimension_semantics<subcore_parallel>], iteration_bounds = array<i64: 2, 16>, scalar_prefetch = 0 : i64, scratch_operands = 20 : i64, tpu.core_type = #tpu.core_type<sc_vector_subcore>, window_params = [{transform_indices = #map}, {transform_indices = #map}, {transform_indices = #map}, {transform_indices = #map1}]} {
    %mul3A = arith.constant 2 : i32
    %mul3A_0 = arith.muli %arg1, %mul3A : i32
    %add3A = arith.addi %mul3A_0, %arg0 : i32
    %mul3A_1 = arith.constant 256 : i32
    %mul3A_2 = arith.muli %add3A, %mul3A_1 : i32
    %dma_start3A = arith.constant 0 : i32
    %dma_start3A_3 = arith.constant 0 : i32
    %dma_start3A_4 = tpu.memref_slice %arg6[%dma_start3A_3] : memref<1024xi32, #tpu.memory_space<vmem>> -> memref<256xi32, #tpu.memory_space<vmem>>
    %dma_start3A_5 = arith.constant 0 : i32
    %dma_start3A_6 = tpu.memref_slice %arg2[%dma_start3A, %dma_start3A_5] : memref<4x8192xi32, #tpu.memory_space<hbm>> -> memref<1x8192xi32, #tpu.memory_space<hbm>>
    %dma_start3A_7 = tpu.memref_squeeze %dma_start3A_6 : memref<1x8192xi32, #tpu.memory_space<hbm>> -> memref<8192xi32, #tpu.memory_space<hbm>>
    %dma_start3A_8 = tpu.memref_slice %dma_start3A_7[%mul3A_2] : memref<8192xi32, #tpu.memory_space<hbm>> -> memref<256xi32, #tpu.memory_space<hbm>>
    %dma_start3A_9 = arith.constant 0 : i32
    %dma_start3A_10 = tpu.memref_slice %arg6[%dma_start3A_9] : memref<1024xi32, #tpu.memory_space<vmem>> -> memref<256xi32, #tpu.memory_space<vmem>>
    %dma_start3A_11 = arith.constant 0 : i32
    %dma_start3A_12 = tpu.memref_slice %arg2[%dma_start3A, %dma_start3A_11] : memref<4x8192xi32, #tpu.memory_space<hbm>> -> memref<1x8192xi32, #tpu.memory_space<hbm>>
    %dma_start3A_13 = tpu.memref_squeeze %dma_start3A_12 : memref<1x8192xi32, #tpu.memory_space<hbm>> -> memref<8192xi32, #tpu.memory_space<hbm>>
    %dma_start3A_14 = tpu.memref_slice %dma_start3A_13[%mul3A_2] : memref<8192xi32, #tpu.memory_space<hbm>> -> memref<256xi32, #tpu.memory_space<hbm>>
    tpu.enqueue_dma source(%dma_start3A_14 : memref<256xi32, #tpu.memory_space<hbm>>) target(%dma_start3A_10 : memref<256xi32, #tpu.memory_space<vmem>>) target_semaphore(%arg9 : memref<!tpu.dma_semaphore, #tpu.memory_space<semaphore_mem>>)
    %mul3A_15 = arith.constant 256 : i32
    %mul3A_16 = arith.muli %add3A, %mul3A_15 : i32
    %dma_start3A_17 = arith.constant 1 : i32
    %dma_start3A_18 = arith.constant 256 : i32
    %dma_start3A_19 = tpu.memref_slice %arg6[%dma_start3A_18] : memref<1024xi32, #tpu.memory_space<vmem>> -> memref<256xi32, #tpu.memory_space<vmem>>
    %dma_start3A_20 = arith.constant 0 : i32
    %dma_start3A_21 = tpu.memref_slice %arg2[%dma_start3A_17, %dma_start3A_20] : memref<4x8192xi32, #tpu.memory_space<hbm>> -> memref<1x8192xi32, #tpu.memory_space<hbm>>
    %dma_start3A_22 = tpu.memref_squeeze %dma_start3A_21 : memref<1x8192xi32, #tpu.memory_space<hbm>> -> memref<8192xi32, #tpu.memory_space<hbm>>
    %dma_start3A_23 = tpu.memref_slice %dma_start3A_22[%mul3A_16] : memref<8192xi32, #tpu.memory_space<hbm>> -> memref<256xi32, #tpu.memory_space<hbm>>
    %dma_start3A_24 = arith.constant 256 : i32
    %dma_start3A_25 = tpu.memref_slice %arg6[%dma_start3A_24] : memref<1024xi32, #tpu.memory_space<vmem>> -> memref<256xi32, #tpu.memory_space<vmem>>
    %dma_start3A_26 = arith.constant 0 : i32
    %dma_start3A_27 = tpu.memref_slice %arg2[%dma_start3A_17, %dma_start3A_26] : memref<4x8192xi32, #tpu.memory_space<hbm>> -> memref<1x8192xi32, #tpu.memory_space<hbm>>
    %dma_start3A_28 = tpu.memref_squeeze %dma_start3A_27 : memref<1x8192xi32, #tpu.memory_space<hbm>> -> memref<8192xi32, #tpu.memory_space<hbm>>
    %dma_start3A_29 = tpu.memref_slice %dma_start3A_28[%mul3A_16] : memref<8192xi32, #tpu.memory_space<hbm>> -> memref<256xi32, #tpu.memory_space<hbm>>
    tpu.enqueue_dma source(%dma_start3A_29 : memref<256xi32, #tpu.memory_space<hbm>>) target(%dma_start3A_25 : memref<256xi32, #tpu.memory_space<vmem>>) target_semaphore(%arg9 : memref<!tpu.dma_semaphore, #tpu.memory_space<semaphore_mem>>)
    %mul3A_30 = arith.constant 256 : i32
    %mul3A_31 = arith.muli %add3A, %mul3A_30 : i32
    %dma_start3A_32 = arith.constant 2 : i32
    %dma_start3A_33 = arith.constant 512 : i32
    %dma_start3A_34 = tpu.memref_slice %arg6[%dma_start3A_33] : memref<1024xi32, #tpu.memory_space<vmem>> -> memref<256xi32, #tpu.memory_space<vmem>>
    %dma_start3A_35 = arith.constant 0 : i32
    %dma_start3A_36 = tpu.memref_slice %arg2[%dma_start3A_32, %dma_start3A_35] : memref<4x8192xi32, #tpu.memory_space<hbm>> -> memref<1x8192xi32, #tpu.memory_space<hbm>>
    %dma_start3A_37 = tpu.memref_squeeze %dma_start3A_36 : memref<1x8192xi32, #tpu.memory_space<hbm>> -> memref<8192xi32, #tpu.memory_space<hbm>>
    %dma_start3A_38 = tpu.memref_slice %dma_start3A_37[%mul3A_31] : memref<8192xi32, #tpu.memory_space<hbm>> -> memref<256xi32, #tpu.memory_space<hbm>>
    %dma_start3A_39 = arith.constant 512 : i32
    %dma_start3A_40 = tpu.memref_slice %arg6[%dma_start3A_39] : memref<1024xi32, #tpu.memory_space<vmem>> -> memref<256xi32, #tpu.memory_space<vmem>>
    %dma_start3A_41 = arith.constant 0 : i32
    %dma_start3A_42 = tpu.memref_slice %arg2[%dma_start3A_32, %dma_start3A_41] : memref<4x8192xi32, #tpu.memory_space<hbm>> -> memref<1x8192xi32, #tpu.memory_space<hbm>>
    %dma_start3A_43 = tpu.memref_squeeze %dma_start3A_42 : memref<1x8192xi32, #tpu.memory_space<hbm>> -> memref<8192xi32, #tpu.memory_space<hbm>>
    %dma_start3A_44 = tpu.memref_slice %dma_start3A_43[%mul3A_31] : memref<8192xi32, #tpu.memory_space<hbm>> -> memref<256xi32, #tpu.memory_space<hbm>>
    tpu.enqueue_dma source(%dma_start3A_44 : memref<256xi32, #tpu.memory_space<hbm>>) target(%dma_start3A_40 : memref<256xi32, #tpu.memory_space<vmem>>) target_semaphore(%arg9 : memref<!tpu.dma_semaphore, #tpu.memory_space<semaphore_mem>>)
    %mul3A_45 = arith.constant 256 : i32
    %mul3A_46 = arith.muli %add3A, %mul3A_45 : i32
    %dma_start3A_47 = arith.constant 3 : i32
    %dma_start3A_48 = arith.constant 768 : i32
    %dma_start3A_49 = tpu.memref_slice %arg6[%dma_start3A_48] : memref<1024xi32, #tpu.memory_space<vmem>> -> memref<256xi32, #tpu.memory_space<vmem>>
    %dma_start3A_50 = arith.constant 0 : i32
    %dma_start3A_51 = tpu.memref_slice %arg2[%dma_start3A_47, %dma_start3A_50] : memref<4x8192xi32, #tpu.memory_space<hbm>> -> memref<1x8192xi32, #tpu.memory_space<hbm>>
    %dma_start3A_52 = tpu.memref_squeeze %dma_start3A_51 : memref<1x8192xi32, #tpu.memory_space<hbm>> -> memref<8192xi32, #tpu.memory_space<hbm>>
    %dma_start3A_53 = tpu.memref_slice %dma_start3A_52[%mul3A_46] : memref<8192xi32, #tpu.memory_space<hbm>> -> memref<256xi32, #tpu.memory_space<hbm>>
    %dma_start3A_54 = arith.constant 768 : i32
    %dma_start3A_55 = tpu.memref_slice %arg6[%dma_start3A_54] : memref<1024xi32, #tpu.memory_space<vmem>> -> memref<256xi32, #tpu.memory_space<vmem>>
    %dma_start3A_56 = arith.constant 0 : i32
    %dma_start3A_57 = tpu.memref_slice %arg2[%dma_start3A_47, %dma_start3A_56] : memref<4x8192xi32, #tpu.memory_space<hbm>> -> memref<1x8192xi32, #tpu.memory_space<hbm>>
    %dma_start3A_58 = tpu.memref_squeeze %dma_start3A_57 : memref<1x8192xi32, #tpu.memory_space<hbm>> -> memref<8192xi32, #tpu.memory_space<hbm>>
    %dma_start3A_59 = tpu.memref_slice %dma_start3A_58[%mul3A_46] : memref<8192xi32, #tpu.memory_space<hbm>> -> memref<256xi32, #tpu.memory_space<hbm>>
    tpu.enqueue_dma source(%dma_start3A_59 : memref<256xi32, #tpu.memory_space<hbm>>) target(%dma_start3A_55 : memref<256xi32, #tpu.memory_space<vmem>>) target_semaphore(%arg9 : memref<!tpu.dma_semaphore, #tpu.memory_space<semaphore_mem>>)
    %mul3A_60 = arith.constant 256 : i32
    %mul3A_61 = arith.muli %add3A, %mul3A_60 : i32
    %dma_start3A_62 = arith.constant 0 : i32
    %dma_start3A_63 = arith.constant 0 : i32
    %dma_start3A_64 = tpu.memref_slice %arg7[%arg1, %dma_start3A_62, %dma_start3A_63] : memref<16x256x128xf32, #tpu.memory_space<vmem_shared>> -> memref<1x256x128xf32, #tpu.memory_space<vmem_shared>>
    %dma_start3A_65 = tpu.memref_squeeze %dma_start3A_64 : memref<1x256x128xf32, #tpu.memory_space<vmem_shared>> -> memref<256x128xf32, #tpu.memory_space<vmem_shared>>
    %dma_start3A_66 = arith.constant 0 : i32
    %dma_start3A_67 = tpu.memref_slice %arg4[%mul3A_61, %dma_start3A_66] : memref<8192x128xf32, #tpu.memory_space<hbm>> -> memref<256x128xf32, #tpu.memory_space<hbm>>
    tpu.enqueue_dma source(%dma_start3A_67 : memref<256x128xf32, #tpu.memory_space<hbm>>) target(%dma_start3A_65 : memref<256x128xf32, #tpu.memory_space<vmem_shared>>) target_semaphore(%arg10 : memref<!tpu.dma_semaphore, #tpu.memory_space<semaphore_mem>>)
    %mul3A_68 = arith.constant 256 : i32
    %mul3A_69 = arith.muli %add3A, %mul3A_68 : i32
    %add3A_70 = arith.constant 0 : i32
    %add3A_71 = arith.addi %mul3A_69, %add3A_70 : i32
    %dma_start3A_72 = arith.constant 0 : i32
    %dma_start3A_73 = arith.constant 0 : i32
    %dma_start3A_74 = arith.constant 0 : i32
    %dma_start3A_75 = tpu.memref_slice %arg8[%dma_start3A_72, %dma_start3A_73, %dma_start3A_74] : memref<5x128x128xf32, #tpu.memory_space<vmem>> -> memref<1x128x128xf32, #tpu.memory_space<vmem>>
    %dma_start3A_76 = tpu.memref_squeeze %dma_start3A_75 : memref<1x128x128xf32, #tpu.memory_space<vmem>> -> memref<128x128xf32, #tpu.memory_space<vmem>>
    %dma_start3A_77 = arith.constant 0 : i32
    %dma_start3A_78 = tpu.memref_slice %arg4[%add3A_71, %dma_start3A_77] : memref<8192x128xf32, #tpu.memory_space<hbm>> -> memref<128x128xf32, #tpu.memory_space<hbm>>
    %dma_start3A_79 = arith.constant 0 : i32
    %dma_start3A_80 = arith.constant 0 : i32
    %dma_start3A_81 = tpu.memref_slice %arg8[%dma_start3A_72, %dma_start3A_79, %dma_start3A_80] : memref<5x128x128xf32, #tpu.memory_space<vmem>> -> memref<1x128x128xf32, #tpu.memory_space<vmem>>
    %dma_start3A_82 = tpu.memref_squeeze %dma_start3A_81 : memref<1x128x128xf32, #tpu.memory_space<vmem>> -> memref<128x128xf32, #tpu.memory_space<vmem>>
    %dma_start3A_83 = arith.constant 0 : i32
    %dma_start3A_84 = tpu.memref_slice %arg4[%add3A_71, %dma_start3A_83] : memref<8192x128xf32, #tpu.memory_space<hbm>> -> memref<128x128xf32, #tpu.memory_space<hbm>>
    tpu.enqueue_dma source(%dma_start3A_84 : memref<128x128xf32, #tpu.memory_space<hbm>>) target(%dma_start3A_82 : memref<128x128xf32, #tpu.memory_space<vmem>>) target_semaphore(%arg11 : memref<!tpu.dma_semaphore, #tpu.memory_space<semaphore_mem>>)
    %mul3A_85 = arith.constant 256 : i32
    %mul3A_86 = arith.muli %add3A, %mul3A_85 : i32
    %add3A_87 = arith.constant 128 : i32
    %add3A_88 = arith.addi %mul3A_86, %add3A_87 : i32
    %dma_start3A_89 = arith.constant 1 : i32
    %dma_start3A_90 = arith.constant 0 : i32
    %dma_start3A_91 = arith.constant 0 : i32
    %dma_start3A_92 = tpu.memref_slice %arg8[%dma_start3A_89, %dma_start3A_90, %dma_start3A_91] : memref<5x128x128xf32, #tpu.memory_space<vmem>> -> memref<1x128x128xf32, #tpu.memory_space<vmem>>
    %dma_start3A_93 = tpu.memref_squeeze %dma_start3A_92 : memref<1x128x128xf32, #tpu.memory_space<vmem>> -> memref<128x128xf32, #tpu.memory_space<vmem>>
    %dma_start3A_94 = arith.constant 0 : i32
    %dma_start3A_95 = tpu.memref_slice %arg4[%add3A_88, %dma_start3A_94] : memref<8192x128xf32, #tpu.memory_space<hbm>> -> memref<128x128xf32, #tpu.memory_space<hbm>>
    %dma_start3A_96 = arith.constant 0 : i32
    %dma_start3A_97 = arith.constant 0 : i32
    %dma_start3A_98 = tpu.memref_slice %arg8[%dma_start3A_89, %dma_start3A_96, %dma_start3A_97] : memref<5x128x128xf32, #tpu.memory_space<vmem>> -> memref<1x128x128xf32, #tpu.memory_space<vmem>>
    %dma_start3A_99 = tpu.memref_squeeze %dma_start3A_98 : memref<1x128x128xf32, #tpu.memory_space<vmem>> -> memref<128x128xf32, #tpu.memory_space<vmem>>
    %dma_start3A_100 = arith.constant 0 : i32
    %dma_start3A_101 = tpu.memref_slice %arg4[%add3A_88, %dma_start3A_100] : memref<8192x128xf32, #tpu.memory_space<hbm>> -> memref<128x128xf32, #tpu.memory_space<hbm>>
    tpu.enqueue_dma source(%dma_start3A_101 : memref<128x128xf32, #tpu.memory_space<hbm>>) target(%dma_start3A_99 : memref<128x128xf32, #tpu.memory_space<vmem>>) target_semaphore(%arg12 : memref<!tpu.dma_semaphore, #tpu.memory_space<semaphore_mem>>)
    %mul3A_102 = arith.constant 256 : i32
    %mul3A_103 = arith.muli %add3A, %mul3A_102 : i32
    %add3A_104 = arith.constant 0 : i32
    %add3A_105 = arith.addi %mul3A_103, %add3A_104 : i32
    %dma_start3A_106 = arith.constant 2 : i32
    %dma_start3A_107 = arith.constant 0 : i32
    %dma_start3A_108 = arith.constant 0 : i32
    %dma_start3A_109 = tpu.memref_slice %arg8[%dma_start3A_106, %dma_start3A_107, %dma_start3A_108] : memref<5x128x128xf32, #tpu.memory_space<vmem>> -> memref<1x128x128xf32, #tpu.memory_space<vmem>>
    %dma_start3A_110 = tpu.memref_squeeze %dma_start3A_109 : memref<1x128x128xf32, #tpu.memory_space<vmem>> -> memref<128x128xf32, #tpu.memory_space<vmem>>
    %dma_start3A_111 = arith.constant 0 : i32
    %dma_start3A_112 = tpu.memref_slice %arg4[%add3A_105, %dma_start3A_111] : memref<8192x128xf32, #tpu.memory_space<hbm>> -> memref<128x128xf32, #tpu.memory_space<hbm>>
    %dma_start3A_113 = arith.constant 0 : i32
    %dma_start3A_114 = arith.constant 0 : i32
    %dma_start3A_115 = tpu.memref_slice %arg8[%dma_start3A_106, %dma_start3A_113, %dma_start3A_114] : memref<5x128x128xf32, #tpu.memory_space<vmem>> -> memref<1x128x128xf32, #tpu.memory_space<vmem>>
    %dma_start3A_116 = tpu.memref_squeeze %dma_start3A_115 : memref<1x128x128xf32, #tpu.memory_space<vmem>> -> memref<128x128xf32, #tpu.memory_space<vmem>>
    %dma_start3A_117 = arith.constant 0 : i32
    %dma_start3A_118 = tpu.memref_slice %arg4[%add3A_105, %dma_start3A_117] : memref<8192x128xf32, #tpu.memory_space<hbm>> -> memref<128x128xf32, #tpu.memory_space<hbm>>
    tpu.enqueue_dma source(%dma_start3A_118 : memref<128x128xf32, #tpu.memory_space<hbm>>) target(%dma_start3A_116 : memref<128x128xf32, #tpu.memory_space<vmem>>) target_semaphore(%arg13 : memref<!tpu.dma_semaphore, #tpu.memory_space<semaphore_mem>>)
    %mul3A_119 = arith.constant 256 : i32
    %mul3A_120 = arith.muli %add3A, %mul3A_119 : i32
    %add3A_121 = arith.constant 128 : i32
    %add3A_122 = arith.addi %mul3A_120, %add3A_121 : i32
    %dma_start3A_123 = arith.constant 3 : i32
    %dma_start3A_124 = arith.constant 0 : i32
    %dma_start3A_125 = arith.constant 0 : i32
    %dma_start3A_126 = tpu.memref_slice %arg8[%dma_start3A_123, %dma_start3A_124, %dma_start3A_125] : memref<5x128x128xf32, #tpu.memory_space<vmem>> -> memref<1x128x128xf32, #tpu.memory_space<vmem>>
    %dma_start3A_127 = tpu.memref_squeeze %dma_start3A_126 : memref<1x128x128xf32, #tpu.memory_space<vmem>> -> memref<128x128xf32, #tpu.memory_space<vmem>>
    %dma_start3A_128 = arith.constant 0 : i32
    %dma_start3A_129 = tpu.memref_slice %arg4[%add3A_122, %dma_start3A_128] : memref<8192x128xf32, #tpu.memory_space<hbm>> -> memref<128x128xf32, #tpu.memory_space<hbm>>
    %dma_start3A_130 = arith.constant 0 : i32
    %dma_start3A_131 = arith.constant 0 : i32
    %dma_start3A_132 = tpu.memref_slice %arg8[%dma_start3A_123, %dma_start3A_130, %dma_start3A_131] : memref<5x128x128xf32, #tpu.memory_space<vmem>> -> memref<1x128x128xf32, #tpu.memory_space<vmem>>
    %dma_start3A_133 = tpu.memref_squeeze %dma_start3A_132 : memref<1x128x128xf32, #tpu.memory_space<vmem>> -> memref<128x128xf32, #tpu.memory_space<vmem>>
    %dma_start3A_134 = arith.constant 0 : i32
    %dma_start3A_135 = tpu.memref_slice %arg4[%add3A_122, %dma_start3A_134] : memref<8192x128xf32, #tpu.memory_space<hbm>> -> memref<128x128xf32, #tpu.memory_space<hbm>>
    tpu.enqueue_dma source(%dma_start3A_135 : memref<128x128xf32, #tpu.memory_space<hbm>>) target(%dma_start3A_133 : memref<128x128xf32, #tpu.memory_space<vmem>>) target_semaphore(%arg14 : memref<!tpu.dma_semaphore, #tpu.memory_space<semaphore_mem>>)
    %mul3A_136 = arith.constant 256 : i32
    %mul3A_137 = arith.muli %add3A, %mul3A_136 : i32
    %add3A_138 = arith.constant 0 : i32
    %add3A_139 = arith.addi %mul3A_137, %add3A_138 : i32
    %dma_start3A_140 = arith.constant 4 : i32
    %dma_start3A_141 = arith.constant 0 : i32
    %dma_start3A_142 = arith.constant 0 : i32
    %dma_start3A_143 = tpu.memref_slice %arg8[%dma_start3A_140, %dma_start3A_141, %dma_start3A_142] : memref<5x128x128xf32, #tpu.memory_space<vmem>> -> memref<1x128x128xf32, #tpu.memory_space<vmem>>
    %dma_start3A_144 = tpu.memref_squeeze %dma_start3A_143 : memref<1x128x128xf32, #tpu.memory_space<vmem>> -> memref<128x128xf32, #tpu.memory_space<vmem>>
    %dma_start3A_145 = arith.constant 0 : i32
    %dma_start3A_146 = tpu.memref_slice %arg4[%add3A_139, %dma_start3A_145] : memref<8192x128xf32, #tpu.memory_space<hbm>> -> memref<128x128xf32, #tpu.memory_space<hbm>>
    %dma_start3A_147 = arith.constant 0 : i32
    %dma_start3A_148 = arith.constant 0 : i32
    %dma_start3A_149 = tpu.memref_slice %arg8[%dma_start3A_140, %dma_start3A_147, %dma_start3A_148] : memref<5x128x128xf32, #tpu.memory_space<vmem>> -> memref<1x128x128xf32, #tpu.memory_space<vmem>>
    %dma_start3A_150 = tpu.memref_squeeze %dma_start3A_149 : memref<1x128x128xf32, #tpu.memory_space<vmem>> -> memref<128x128xf32, #tpu.memory_space<vmem>>
    %dma_start3A_151 = arith.constant 0 : i32
    %dma_start3A_152 = tpu.memref_slice %arg4[%add3A_139, %dma_start3A_151] : memref<8192x128xf32, #tpu.memory_space<hbm>> -> memref<128x128xf32, #tpu.memory_space<hbm>>
    tpu.enqueue_dma source(%dma_start3A_152 : memref<128x128xf32, #tpu.memory_space<hbm>>) target(%dma_start3A_150 : memref<128x128xf32, #tpu.memory_space<vmem>>) target_semaphore(%arg15 : memref<!tpu.dma_semaphore, #tpu.memory_space<semaphore_mem>>)
    %dma_wait3A = arith.constant 0 : i32
    %dma_wait3A_153 = arith.constant 0 : i32
    %dma_wait3A_154 = tpu.memref_slice %arg6[%dma_wait3A_153] : memref<1024xi32, #tpu.memory_space<vmem>> -> memref<256xi32, #tpu.memory_space<vmem>>
    %dma_wait3A_155 = arith.constant 0 : i32
    %dma_wait3A_156 = tpu.memref_slice %arg2[%dma_wait3A, %dma_wait3A_155] : memref<4x8192xi32, #tpu.memory_space<hbm>> -> memref<1x8192xi32, #tpu.memory_space<hbm>>
    %dma_wait3A_157 = tpu.memref_squeeze %dma_wait3A_156 : memref<1x8192xi32, #tpu.memory_space<hbm>> -> memref<8192xi32, #tpu.memory_space<hbm>>
    %dma_wait3A_158 = tpu.memref_slice %dma_wait3A_157[%mul3A_2] : memref<8192xi32, #tpu.memory_space<hbm>> -> memref<256xi32, #tpu.memory_space<hbm>>
    %dma_wait3A_159 = arith.constant 0 : i32
    %dma_wait3A_160 = tpu.memref_slice %arg6[%dma_wait3A_159] : memref<1024xi32, #tpu.memory_space<vmem>> -> memref<256xi32, #tpu.memory_space<vmem>>
    %dma_wait3A_161 = arith.constant 0 : i32
    %dma_wait3A_162 = tpu.memref_slice %arg2[%dma_wait3A, %dma_wait3A_161] : memref<4x8192xi32, #tpu.memory_space<hbm>> -> memref<1x8192xi32, #tpu.memory_space<hbm>>
    %dma_wait3A_163 = tpu.memref_squeeze %dma_wait3A_162 : memref<1x8192xi32, #tpu.memory_space<hbm>> -> memref<8192xi32, #tpu.memory_space<hbm>>
    %dma_wait3A_164 = tpu.memref_slice %dma_wait3A_163[%mul3A_2] : memref<8192xi32, #tpu.memory_space<hbm>> -> memref<256xi32, #tpu.memory_space<hbm>>
    tpu.wait_dma2 semaphore(%arg9 : memref<!tpu.dma_semaphore, #tpu.memory_space<semaphore_mem>>) src(%dma_wait3A_164 : memref<256xi32, #tpu.memory_space<hbm>>) dst(%dma_wait3A_160 : memref<256xi32, #tpu.memory_space<vmem>>)
    %dma_wait3A_165 = arith.constant 1 : i32
    %dma_wait3A_166 = arith.constant 256 : i32
    %dma_wait3A_167 = tpu.memref_slice %arg6[%dma_wait3A_166] : memref<1024xi32, #tpu.memory_space<vmem>> -> memref<256xi32, #tpu.memory_space<vmem>>
    %dma_wait3A_168 = arith.constant 0 : i32
    %dma_wait3A_169 = tpu.memref_slice %arg2[%dma_wait3A_165, %dma_wait3A_168] : memref<4x8192xi32, #tpu.memory_space<hbm>> -> memref<1x8192xi32, #tpu.memory_space<hbm>>
    %dma_wait3A_170 = tpu.memref_squeeze %dma_wait3A_169 : memref<1x8192xi32, #tpu.memory_space<hbm>> -> memref<8192xi32, #tpu.memory_space<hbm>>
    %dma_wait3A_171 = tpu.memref_slice %dma_wait3A_170[%mul3A_16] : memref<8192xi32, #tpu.memory_space<hbm>> -> memref<256xi32, #tpu.memory_space<hbm>>
    %dma_wait3A_172 = arith.constant 256 : i32
    %dma_wait3A_173 = tpu.memref_slice %arg6[%dma_wait3A_172] : memref<1024xi32, #tpu.memory_space<vmem>> -> memref<256xi32, #tpu.memory_space<vmem>>
    %dma_wait3A_174 = arith.constant 0 : i32
    %dma_wait3A_175 = tpu.memref_slice %arg2[%dma_wait3A_165, %dma_wait3A_174] : memref<4x8192xi32, #tpu.memory_space<hbm>> -> memref<1x8192xi32, #tpu.memory_space<hbm>>
    %dma_wait3A_176 = tpu.memref_squeeze %dma_wait3A_175 : memref<1x8192xi32, #tpu.memory_space<hbm>> -> memref<8192xi32, #tpu.memory_space<hbm>>
    %dma_wait3A_177 = tpu.memref_slice %dma_wait3A_176[%mul3A_16] : memref<8192xi32, #tpu.memory_space<hbm>> -> memref<256xi32, #tpu.memory_space<hbm>>
    tpu.wait_dma2 semaphore(%arg9 : memref<!tpu.dma_semaphore, #tpu.memory_space<semaphore_mem>>) src(%dma_wait3A_177 : memref<256xi32, #tpu.memory_space<hbm>>) dst(%dma_wait3A_173 : memref<256xi32, #tpu.memory_space<vmem>>)
    %dma_wait3A_178 = arith.constant 2 : i32
    %dma_wait3A_179 = arith.constant 512 : i32
    %dma_wait3A_180 = tpu.memref_slice %arg6[%dma_wait3A_179] : memref<1024xi32, #tpu.memory_space<vmem>> -> memref<256xi32, #tpu.memory_space<vmem>>
    %dma_wait3A_181 = arith.constant 0 : i32
    %dma_wait3A_182 = tpu.memref_slice %arg2[%dma_wait3A_178, %dma_wait3A_181] : memref<4x8192xi32, #tpu.memory_space<hbm>> -> memref<1x8192xi32, #tpu.memory_space<hbm>>
    %dma_wait3A_183 = tpu.memref_squeeze %dma_wait3A_182 : memref<1x8192xi32, #tpu.memory_space<hbm>> -> memref<8192xi32, #tpu.memory_space<hbm>>
    %dma_wait3A_184 = tpu.memref_slice %dma_wait3A_183[%mul3A_31] : memref<8192xi32, #tpu.memory_space<hbm>> -> memref<256xi32, #tpu.memory_space<hbm>>
    %dma_wait3A_185 = arith.constant 512 : i32
    %dma_wait3A_186 = tpu.memref_slice %arg6[%dma_wait3A_185] : memref<1024xi32, #tpu.memory_space<vmem>> -> memref<256xi32, #tpu.memory_space<vmem>>
    %dma_wait3A_187 = arith.constant 0 : i32
    %dma_wait3A_188 = tpu.memref_slice %arg2[%dma_wait3A_178, %dma_wait3A_187] : memref<4x8192xi32, #tpu.memory_space<hbm>> -> memref<1x8192xi32, #tpu.memory_space<hbm>>
    %dma_wait3A_189 = tpu.memref_squeeze %dma_wait3A_188 : memref<1x8192xi32, #tpu.memory_space<hbm>> -> memref<8192xi32, #tpu.memory_space<hbm>>
    %dma_wait3A_190 = tpu.memref_slice %dma_wait3A_189[%mul3A_31] : memref<8192xi32, #tpu.memory_space<hbm>> -> memref<256xi32, #tpu.memory_space<hbm>>
    tpu.wait_dma2 semaphore(%arg9 : memref<!tpu.dma_semaphore, #tpu.memory_space<semaphore_mem>>) src(%dma_wait3A_190 : memref<256xi32, #tpu.memory_space<hbm>>) dst(%dma_wait3A_186 : memref<256xi32, #tpu.memory_space<vmem>>)
    %dma_wait3A_191 = arith.constant 3 : i32
    %dma_wait3A_192 = arith.constant 768 : i32
    %dma_wait3A_193 = tpu.memref_slice %arg6[%dma_wait3A_192] : memref<1024xi32, #tpu.memory_space<vmem>> -> memref<256xi32, #tpu.memory_space<vmem>>
    %dma_wait3A_194 = arith.constant 0 : i32
    %dma_wait3A_195 = tpu.memref_slice %arg2[%dma_wait3A_191, %dma_wait3A_194] : memref<4x8192xi32, #tpu.memory_space<hbm>> -> memref<1x8192xi32, #tpu.memory_space<hbm>>
    %dma_wait3A_196 = tpu.memref_squeeze %dma_wait3A_195 : memref<1x8192xi32, #tpu.memory_space<hbm>> -> memref<8192xi32, #tpu.memory_space<hbm>>
    %dma_wait3A_197 = tpu.memref_slice %dma_wait3A_196[%mul3A_46] : memref<8192xi32, #tpu.memory_space<hbm>> -> memref<256xi32, #tpu.memory_space<hbm>>
    %dma_wait3A_198 = arith.constant 768 : i32
    %dma_wait3A_199 = tpu.memref_slice %arg6[%dma_wait3A_198] : memref<1024xi32, #tpu.memory_space<vmem>> -> memref<256xi32, #tpu.memory_space<vmem>>
    %dma_wait3A_200 = arith.constant 0 : i32
    %dma_wait3A_201 = tpu.memref_slice %arg2[%dma_wait3A_191, %dma_wait3A_200] : memref<4x8192xi32, #tpu.memory_space<hbm>> -> memref<1x8192xi32, #tpu.memory_space<hbm>>
    %dma_wait3A_202 = tpu.memref_squeeze %dma_wait3A_201 : memref<1x8192xi32, #tpu.memory_space<hbm>> -> memref<8192xi32, #tpu.memory_space<hbm>>
    %dma_wait3A_203 = tpu.memref_slice %dma_wait3A_202[%mul3A_46] : memref<8192xi32, #tpu.memory_space<hbm>> -> memref<256xi32, #tpu.memory_space<hbm>>
    tpu.wait_dma2 semaphore(%arg9 : memref<!tpu.dma_semaphore, #tpu.memory_space<semaphore_mem>>) src(%dma_wait3A_203 : memref<256xi32, #tpu.memory_space<hbm>>) dst(%dma_wait3A_199 : memref<256xi32, #tpu.memory_space<vmem>>)
    %dma_wait3A_204 = arith.constant 0 : i32
    %dma_wait3A_205 = arith.constant 0 : i32
    %dma_wait3A_206 = arith.constant 0 : i32
    %dma_wait3A_207 = tpu.memref_slice %arg8[%dma_wait3A_204, %dma_wait3A_205, %dma_wait3A_206] : memref<5x128x128xf32, #tpu.memory_space<vmem>> -> memref<1x128x128xf32, #tpu.memory_space<vmem>>
    %dma_wait3A_208 = tpu.memref_squeeze %dma_wait3A_207 : memref<1x128x128xf32, #tpu.memory_space<vmem>> -> memref<128x128xf32, #tpu.memory_space<vmem>>
    %dma_wait3A_209 = arith.constant 0 : i32
    %dma_wait3A_210 = tpu.memref_slice %arg4[%add3A_71, %dma_wait3A_209] : memref<8192x128xf32, #tpu.memory_space<hbm>> -> memref<128x128xf32, #tpu.memory_space<hbm>>
    %dma_wait3A_211 = arith.constant 0 : i32
    %dma_wait3A_212 = arith.constant 0 : i32
    %dma_wait3A_213 = tpu.memref_slice %arg8[%dma_wait3A_204, %dma_wait3A_211, %dma_wait3A_212] : memref<5x128x128xf32, #tpu.memory_space<vmem>> -> memref<1x128x128xf32, #tpu.memory_space<vmem>>
    %dma_wait3A_214 = tpu.memref_squeeze %dma_wait3A_213 : memref<1x128x128xf32, #tpu.memory_space<vmem>> -> memref<128x128xf32, #tpu.memory_space<vmem>>
    %dma_wait3A_215 = arith.constant 0 : i32
    %dma_wait3A_216 = tpu.memref_slice %arg4[%add3A_71, %dma_wait3A_215] : memref<8192x128xf32, #tpu.memory_space<hbm>> -> memref<128x128xf32, #tpu.memory_space<hbm>>
    tpu.wait_dma2 semaphore(%arg11 : memref<!tpu.dma_semaphore, #tpu.memory_space<semaphore_mem>>) src(%dma_wait3A_216 : memref<128x128xf32, #tpu.memory_space<hbm>>) dst(%dma_wait3A_214 : memref<128x128xf32, #tpu.memory_space<vmem>>)
    %dma_start3A_217 = arith.constant 0 : i32
    %dma_start3A_218 = arith.constant 0 : i32
    %dma_start3A_219 = arith.constant 0 : i32
    %dma_start3A_220 = tpu.memref_slice %arg8[%dma_start3A_217, %dma_start3A_218, %dma_start3A_219] : memref<5x128x128xf32, #tpu.memory_space<vmem>> -> memref<1x128x128xf32, #tpu.memory_space<vmem>>
    %dma_start3A_221 = tpu.memref_squeeze %dma_start3A_220 : memref<1x128x128xf32, #tpu.memory_space<vmem>> -> memref<128x128xf32, #tpu.memory_space<vmem>>
    %dma_start3A_222 = arith.constant 0 : i32
    %dma_start3A_223 = tpu.memref_slice %arg6[%dma_start3A_222] : memref<1024xi32, #tpu.memory_space<vmem>> -> memref<128xi32, #tpu.memory_space<vmem>>
    %dma_start3A_224 = arith.constant 0 : i32
    %dma_start3A_225 = arith.constant 0 : i32
    %dma_start3A_226 = tpu.memref_slice %arg3[%dma_start3A_224, %dma_start3A_225] : memref<100000x128xf32, #tpu.memory_space<hbm>> -> memref<100000x128xf32, #tpu.memory_space<hbm>>
    tpu.enqueue_indirect_dma source(%dma_start3A_226 : memref<100000x128xf32, #tpu.memory_space<hbm>>) target(%dma_start3A_221 : memref<128x128xf32, #tpu.memory_space<vmem>>) offsets(%dma_start3A_223 : memref<128xi32, #tpu.memory_space<vmem>>) semaphore(%arg16 : memref<!tpu.dma_semaphore, #tpu.memory_space<semaphore_mem>>) {add = true}
    %dma_wait3A_227 = arith.constant 1 : i32
    %dma_wait3A_228 = arith.constant 0 : i32
    %dma_wait3A_229 = arith.constant 0 : i32
    %dma_wait3A_230 = tpu.memref_slice %arg8[%dma_wait3A_227, %dma_wait3A_228, %dma_wait3A_229] : memref<5x128x128xf32, #tpu.memory_space<vmem>> -> memref<1x128x128xf32, #tpu.memory_space<vmem>>
    %dma_wait3A_231 = tpu.memref_squeeze %dma_wait3A_230 : memref<1x128x128xf32, #tpu.memory_space<vmem>> -> memref<128x128xf32, #tpu.memory_space<vmem>>
    %dma_wait3A_232 = arith.constant 0 : i32
    %dma_wait3A_233 = tpu.memref_slice %arg4[%add3A_88, %dma_wait3A_232] : memref<8192x128xf32, #tpu.memory_space<hbm>> -> memref<128x128xf32, #tpu.memory_space<hbm>>
    %dma_wait3A_234 = arith.constant 0 : i32
    %dma_wait3A_235 = arith.constant 0 : i32
    %dma_wait3A_236 = tpu.memref_slice %arg8[%dma_wait3A_227, %dma_wait3A_234, %dma_wait3A_235] : memref<5x128x128xf32, #tpu.memory_space<vmem>> -> memref<1x128x128xf32, #tpu.memory_space<vmem>>
    %dma_wait3A_237 = tpu.memref_squeeze %dma_wait3A_236 : memref<1x128x128xf32, #tpu.memory_space<vmem>> -> memref<128x128xf32, #tpu.memory_space<vmem>>
    %dma_wait3A_238 = arith.constant 0 : i32
    %dma_wait3A_239 = tpu.memref_slice %arg4[%add3A_88, %dma_wait3A_238] : memref<8192x128xf32, #tpu.memory_space<hbm>> -> memref<128x128xf32, #tpu.memory_space<hbm>>
    tpu.wait_dma2 semaphore(%arg12 : memref<!tpu.dma_semaphore, #tpu.memory_space<semaphore_mem>>) src(%dma_wait3A_239 : memref<128x128xf32, #tpu.memory_space<hbm>>) dst(%dma_wait3A_237 : memref<128x128xf32, #tpu.memory_space<vmem>>)
    %dma_start3A_240 = arith.constant 1 : i32
    %dma_start3A_241 = arith.constant 0 : i32
    %dma_start3A_242 = arith.constant 0 : i32
    %dma_start3A_243 = tpu.memref_slice %arg8[%dma_start3A_240, %dma_start3A_241, %dma_start3A_242] : memref<5x128x128xf32, #tpu.memory_space<vmem>> -> memref<1x128x128xf32, #tpu.memory_space<vmem>>
    %dma_start3A_244 = tpu.memref_squeeze %dma_start3A_243 : memref<1x128x128xf32, #tpu.memory_space<vmem>> -> memref<128x128xf32, #tpu.memory_space<vmem>>
    %dma_start3A_245 = arith.constant 128 : i32
    %dma_start3A_246 = tpu.memref_slice %arg6[%dma_start3A_245] : memref<1024xi32, #tpu.memory_space<vmem>> -> memref<128xi32, #tpu.memory_space<vmem>>
    %dma_start3A_247 = arith.constant 0 : i32
    %dma_start3A_248 = arith.constant 0 : i32
    %dma_start3A_249 = tpu.memref_slice %arg3[%dma_start3A_247, %dma_start3A_248] : memref<100000x128xf32, #tpu.memory_space<hbm>> -> memref<100000x128xf32, #tpu.memory_space<hbm>>
    tpu.enqueue_indirect_dma source(%dma_start3A_249 : memref<100000x128xf32, #tpu.memory_space<hbm>>) target(%dma_start3A_244 : memref<128x128xf32, #tpu.memory_space<vmem>>) offsets(%dma_start3A_246 : memref<128xi32, #tpu.memory_space<vmem>>) semaphore(%arg17 : memref<!tpu.dma_semaphore, #tpu.memory_space<semaphore_mem>>) {add = true}
    %dma_wait3A_250 = arith.constant 2 : i32
    %dma_wait3A_251 = arith.constant 0 : i32
    %dma_wait3A_252 = arith.constant 0 : i32
    %dma_wait3A_253 = tpu.memref_slice %arg8[%dma_wait3A_250, %dma_wait3A_251, %dma_wait3A_252] : memref<5x128x128xf32, #tpu.memory_space<vmem>> -> memref<1x128x128xf32, #tpu.memory_space<vmem>>
    %dma_wait3A_254 = tpu.memref_squeeze %dma_wait3A_253 : memref<1x128x128xf32, #tpu.memory_space<vmem>> -> memref<128x128xf32, #tpu.memory_space<vmem>>
    %dma_wait3A_255 = arith.constant 0 : i32
    %dma_wait3A_256 = tpu.memref_slice %arg4[%add3A_105, %dma_wait3A_255] : memref<8192x128xf32, #tpu.memory_space<hbm>> -> memref<128x128xf32, #tpu.memory_space<hbm>>
    %dma_wait3A_257 = arith.constant 0 : i32
    %dma_wait3A_258 = arith.constant 0 : i32
    %dma_wait3A_259 = tpu.memref_slice %arg8[%dma_wait3A_250, %dma_wait3A_257, %dma_wait3A_258] : memref<5x128x128xf32, #tpu.memory_space<vmem>> -> memref<1x128x128xf32, #tpu.memory_space<vmem>>
    %dma_wait3A_260 = tpu.memref_squeeze %dma_wait3A_259 : memref<1x128x128xf32, #tpu.memory_space<vmem>> -> memref<128x128xf32, #tpu.memory_space<vmem>>
    %dma_wait3A_261 = arith.constant 0 : i32
    %dma_wait3A_262 = tpu.memref_slice %arg4[%add3A_105, %dma_wait3A_261] : memref<8192x128xf32, #tpu.memory_space<hbm>> -> memref<128x128xf32, #tpu.memory_space<hbm>>
    tpu.wait_dma2 semaphore(%arg13 : memref<!tpu.dma_semaphore, #tpu.memory_space<semaphore_mem>>) src(%dma_wait3A_262 : memref<128x128xf32, #tpu.memory_space<hbm>>) dst(%dma_wait3A_260 : memref<128x128xf32, #tpu.memory_space<vmem>>)
    %dma_start3A_263 = arith.constant 2 : i32
    %dma_start3A_264 = arith.constant 0 : i32
    %dma_start3A_265 = arith.constant 0 : i32
    %dma_start3A_266 = tpu.memref_slice %arg8[%dma_start3A_263, %dma_start3A_264, %dma_start3A_265] : memref<5x128x128xf32, #tpu.memory_space<vmem>> -> memref<1x128x128xf32, #tpu.memory_space<vmem>>
    %dma_start3A_267 = tpu.memref_squeeze %dma_start3A_266 : memref<1x128x128xf32, #tpu.memory_space<vmem>> -> memref<128x128xf32, #tpu.memory_space<vmem>>
    %dma_start3A_268 = arith.constant 256 : i32
    %dma_start3A_269 = tpu.memref_slice %arg6[%dma_start3A_268] : memref<1024xi32, #tpu.memory_space<vmem>> -> memref<128xi32, #tpu.memory_space<vmem>>
    %dma_start3A_270 = arith.constant 0 : i32
    %dma_start3A_271 = arith.constant 0 : i32
    %dma_start3A_272 = tpu.memref_slice %arg3[%dma_start3A_270, %dma_start3A_271] : memref<100000x128xf32, #tpu.memory_space<hbm>> -> memref<100000x128xf32, #tpu.memory_space<hbm>>
    tpu.enqueue_indirect_dma source(%dma_start3A_272 : memref<100000x128xf32, #tpu.memory_space<hbm>>) target(%dma_start3A_267 : memref<128x128xf32, #tpu.memory_space<vmem>>) offsets(%dma_start3A_269 : memref<128xi32, #tpu.memory_space<vmem>>) semaphore(%arg18 : memref<!tpu.dma_semaphore, #tpu.memory_space<semaphore_mem>>) {add = true}
    %dma_wait3A_273 = arith.constant 3 : i32
    %dma_wait3A_274 = arith.constant 0 : i32
    %dma_wait3A_275 = arith.constant 0 : i32
    %dma_wait3A_276 = tpu.memref_slice %arg8[%dma_wait3A_273, %dma_wait3A_274, %dma_wait3A_275] : memref<5x128x128xf32, #tpu.memory_space<vmem>> -> memref<1x128x128xf32, #tpu.memory_space<vmem>>
    %dma_wait3A_277 = tpu.memref_squeeze %dma_wait3A_276 : memref<1x128x128xf32, #tpu.memory_space<vmem>> -> memref<128x128xf32, #tpu.memory_space<vmem>>
    %dma_wait3A_278 = arith.constant 0 : i32
    %dma_wait3A_279 = tpu.memref_slice %arg4[%add3A_122, %dma_wait3A_278] : memref<8192x128xf32, #tpu.memory_space<hbm>> -> memref<128x128xf32, #tpu.memory_space<hbm>>
    %dma_wait3A_280 = arith.constant 0 : i32
    %dma_wait3A_281 = arith.constant 0 : i32
    %dma_wait3A_282 = tpu.memref_slice %arg8[%dma_wait3A_273, %dma_wait3A_280, %dma_wait3A_281] : memref<5x128x128xf32, #tpu.memory_space<vmem>> -> memref<1x128x128xf32, #tpu.memory_space<vmem>>
    %dma_wait3A_283 = tpu.memref_squeeze %dma_wait3A_282 : memref<1x128x128xf32, #tpu.memory_space<vmem>> -> memref<128x128xf32, #tpu.memory_space<vmem>>
    %dma_wait3A_284 = arith.constant 0 : i32
    %dma_wait3A_285 = tpu.memref_slice %arg4[%add3A_122, %dma_wait3A_284] : memref<8192x128xf32, #tpu.memory_space<hbm>> -> memref<128x128xf32, #tpu.memory_space<hbm>>
    tpu.wait_dma2 semaphore(%arg14 : memref<!tpu.dma_semaphore, #tpu.memory_space<semaphore_mem>>) src(%dma_wait3A_285 : memref<128x128xf32, #tpu.memory_space<hbm>>) dst(%dma_wait3A_283 : memref<128x128xf32, #tpu.memory_space<vmem>>)
    %dma_start3A_286 = arith.constant 3 : i32
    %dma_start3A_287 = arith.constant 0 : i32
    %dma_start3A_288 = arith.constant 0 : i32
    %dma_start3A_289 = tpu.memref_slice %arg8[%dma_start3A_286, %dma_start3A_287, %dma_start3A_288] : memref<5x128x128xf32, #tpu.memory_space<vmem>> -> memref<1x128x128xf32, #tpu.memory_space<vmem>>
    %dma_start3A_290 = tpu.memref_squeeze %dma_start3A_289 : memref<1x128x128xf32, #tpu.memory_space<vmem>> -> memref<128x128xf32, #tpu.memory_space<vmem>>
    %dma_start3A_291 = arith.constant 384 : i32
    %dma_start3A_292 = tpu.memref_slice %arg6[%dma_start3A_291] : memref<1024xi32, #tpu.memory_space<vmem>> -> memref<128xi32, #tpu.memory_space<vmem>>
    %dma_start3A_293 = arith.constant 0 : i32
    %dma_start3A_294 = arith.constant 0 : i32
    %dma_start3A_295 = tpu.memref_slice %arg3[%dma_start3A_293, %dma_start3A_294] : memref<100000x128xf32, #tpu.memory_space<hbm>> -> memref<100000x128xf32, #tpu.memory_space<hbm>>
    tpu.enqueue_indirect_dma source(%dma_start3A_295 : memref<100000x128xf32, #tpu.memory_space<hbm>>) target(%dma_start3A_290 : memref<128x128xf32, #tpu.memory_space<vmem>>) offsets(%dma_start3A_292 : memref<128xi32, #tpu.memory_space<vmem>>) semaphore(%arg19 : memref<!tpu.dma_semaphore, #tpu.memory_space<semaphore_mem>>) {add = true}
    %dma_wait3A_296 = arith.constant 4 : i32
    %dma_wait3A_297 = arith.constant 0 : i32
    %dma_wait3A_298 = arith.constant 0 : i32
    %dma_wait3A_299 = tpu.memref_slice %arg8[%dma_wait3A_296, %dma_wait3A_297, %dma_wait3A_298] : memref<5x128x128xf32, #tpu.memory_space<vmem>> -> memref<1x128x128xf32, #tpu.memory_space<vmem>>
    %dma_wait3A_300 = tpu.memref_squeeze %dma_wait3A_299 : memref<1x128x128xf32, #tpu.memory_space<vmem>> -> memref<128x128xf32, #tpu.memory_space<vmem>>
    %dma_wait3A_301 = arith.constant 0 : i32
    %dma_wait3A_302 = tpu.memref_slice %arg4[%add3A_139, %dma_wait3A_301] : memref<8192x128xf32, #tpu.memory_space<hbm>> -> memref<128x128xf32, #tpu.memory_space<hbm>>
    %dma_wait3A_303 = arith.constant 0 : i32
    %dma_wait3A_304 = arith.constant 0 : i32
    %dma_wait3A_305 = tpu.memref_slice %arg8[%dma_wait3A_296, %dma_wait3A_303, %dma_wait3A_304] : memref<5x128x128xf32, #tpu.memory_space<vmem>> -> memref<1x128x128xf32, #tpu.memory_space<vmem>>
    %dma_wait3A_306 = tpu.memref_squeeze %dma_wait3A_305 : memref<1x128x128xf32, #tpu.memory_space<vmem>> -> memref<128x128xf32, #tpu.memory_space<vmem>>
    %dma_wait3A_307 = arith.constant 0 : i32
    %dma_wait3A_308 = tpu.memref_slice %arg4[%add3A_139, %dma_wait3A_307] : memref<8192x128xf32, #tpu.memory_space<hbm>> -> memref<128x128xf32, #tpu.memory_space<hbm>>
    tpu.wait_dma2 semaphore(%arg15 : memref<!tpu.dma_semaphore, #tpu.memory_space<semaphore_mem>>) src(%dma_wait3A_308 : memref<128x128xf32, #tpu.memory_space<hbm>>) dst(%dma_wait3A_306 : memref<128x128xf32, #tpu.memory_space<vmem>>)
    %dma_start3A_309 = arith.constant 4 : i32
    %dma_start3A_310 = arith.constant 0 : i32
    %dma_start3A_311 = arith.constant 0 : i32
    %dma_start3A_312 = tpu.memref_slice %arg8[%dma_start3A_309, %dma_start3A_310, %dma_start3A_311] : memref<5x128x128xf32, #tpu.memory_space<vmem>> -> memref<1x128x128xf32, #tpu.memory_space<vmem>>
    %dma_start3A_313 = tpu.memref_squeeze %dma_start3A_312 : memref<1x128x128xf32, #tpu.memory_space<vmem>> -> memref<128x128xf32, #tpu.memory_space<vmem>>
    %dma_start3A_314 = arith.constant 512 : i32
    %dma_start3A_315 = tpu.memref_slice %arg6[%dma_start3A_314] : memref<1024xi32, #tpu.memory_space<vmem>> -> memref<128xi32, #tpu.memory_space<vmem>>
    %dma_start3A_316 = arith.constant 0 : i32
    %dma_start3A_317 = arith.constant 0 : i32
    %dma_start3A_318 = tpu.memref_slice %arg3[%dma_start3A_316, %dma_start3A_317] : memref<100000x128xf32, #tpu.memory_space<hbm>> -> memref<100000x128xf32, #tpu.memory_space<hbm>>
    tpu.enqueue_indirect_dma source(%dma_start3A_318 : memref<100000x128xf32, #tpu.memory_space<hbm>>) target(%dma_start3A_313 : memref<128x128xf32, #tpu.memory_space<vmem>>) offsets(%dma_start3A_315 : memref<128xi32, #tpu.memory_space<vmem>>) semaphore(%arg20 : memref<!tpu.dma_semaphore, #tpu.memory_space<semaphore_mem>>) {add = true}
    %dma_wait3A_319 = arith.constant 0 : i32
    %dma_wait3A_320 = arith.constant 0 : i32
    %dma_wait3A_321 = arith.constant 0 : i32
    %dma_wait3A_322 = tpu.memref_slice %arg8[%dma_wait3A_319, %dma_wait3A_320, %dma_wait3A_321] : memref<5x128x128xf32, #tpu.memory_space<vmem>> -> memref<1x128x128xf32, #tpu.memory_space<vmem>>
    %dma_wait3A_323 = tpu.memref_squeeze %dma_wait3A_322 : memref<1x128x128xf32, #tpu.memory_space<vmem>> -> memref<128x128xf32, #tpu.memory_space<vmem>>
    %dma_wait3A_324 = arith.constant 0 : i32
    %dma_wait3A_325 = tpu.memref_slice %arg6[%dma_wait3A_324] : memref<1024xi32, #tpu.memory_space<vmem>> -> memref<128xi32, #tpu.memory_space<vmem>>
    %dma_wait3A_326 = arith.constant 0 : i32
    %dma_wait3A_327 = arith.constant 0 : i32
    %dma_wait3A_328 = tpu.memref_slice %arg3[%dma_wait3A_326, %dma_wait3A_327] : memref<100000x128xf32, #tpu.memory_space<hbm>> -> memref<100000x128xf32, #tpu.memory_space<hbm>>
    tpu.wait_indirect_dma semaphore(%arg16 : memref<!tpu.dma_semaphore, #tpu.memory_space<semaphore_mem>>) src(%dma_wait3A_328 : memref<100000x128xf32, #tpu.memory_space<hbm>>) dst(%dma_wait3A_323 : memref<128x128xf32, #tpu.memory_space<vmem>>)
    %mul3A_329 = arith.constant 256 : i32
    %mul3A_330 = arith.muli %add3A, %mul3A_329 : i32
    %add3A_331 = arith.constant 0 : i32
    %add3A_332 = arith.addi %mul3A_330, %add3A_331 : i32
    %dma_start3A_333 = arith.constant 0 : i32
    %dma_start3A_334 = arith.constant 0 : i32
    %dma_start3A_335 = arith.constant 0 : i32
    %dma_start3A_336 = arith.constant 0 : i32
    %dma_start3A_337 = tpu.memref_slice %arg8[%dma_start3A_333, %dma_start3A_335, %dma_start3A_336] : memref<5x128x128xf32, #tpu.memory_space<vmem>> -> memref<1x128x128xf32, #tpu.memory_space<vmem>>
    %dma_start3A_338 = tpu.memref_squeeze %dma_start3A_337 : memref<1x128x128xf32, #tpu.memory_space<vmem>> -> memref<128x128xf32, #tpu.memory_space<vmem>>
    %dma_start3A_339 = arith.constant 0 : i32
    %dma_start3A_340 = arith.constant 0 : i32
    %dma_start3A_341 = tpu.memref_slice %arg5[%dma_start3A_334, %dma_start3A_339, %dma_start3A_340] : memref<4x8192x128xf32, #tpu.memory_space<hbm>> -> memref<1x8192x128xf32, #tpu.memory_space<hbm>>
    %dma_start3A_342 = tpu.memref_squeeze %dma_start3A_341 : memref<1x8192x128xf32, #tpu.memory_space<hbm>> -> memref<8192x128xf32, #tpu.memory_space<hbm>>
    %dma_start3A_343 = arith.constant 0 : i32
    %dma_start3A_344 = tpu.memref_slice %dma_start3A_342[%add3A_332, %dma_start3A_343] : memref<8192x128xf32, #tpu.memory_space<hbm>> -> memref<128x128xf32, #tpu.memory_space<hbm>>
    %dma_start3A_345 = arith.constant 0 : i32
    %dma_start3A_346 = arith.constant 0 : i32
    %dma_start3A_347 = tpu.memref_slice %arg5[%dma_start3A_334, %dma_start3A_345, %dma_start3A_346] : memref<4x8192x128xf32, #tpu.memory_space<hbm>> -> memref<1x8192x128xf32, #tpu.memory_space<hbm>>
    %dma_start3A_348 = tpu.memref_squeeze %dma_start3A_347 : memref<1x8192x128xf32, #tpu.memory_space<hbm>> -> memref<8192x128xf32, #tpu.memory_space<hbm>>
    %dma_start3A_349 = arith.constant 0 : i32
    %dma_start3A_350 = tpu.memref_slice %dma_start3A_348[%add3A_332, %dma_start3A_349] : memref<8192x128xf32, #tpu.memory_space<hbm>> -> memref<128x128xf32, #tpu.memory_space<hbm>>
    %dma_start3A_351 = arith.constant 0 : i32
    %dma_start3A_352 = arith.constant 0 : i32
    %dma_start3A_353 = tpu.memref_slice %arg8[%dma_start3A_333, %dma_start3A_351, %dma_start3A_352] : memref<5x128x128xf32, #tpu.memory_space<vmem>> -> memref<1x128x128xf32, #tpu.memory_space<vmem>>
    %dma_start3A_354 = tpu.memref_squeeze %dma_start3A_353 : memref<1x128x128xf32, #tpu.memory_space<vmem>> -> memref<128x128xf32, #tpu.memory_space<vmem>>
    tpu.enqueue_dma source(%dma_start3A_354 : memref<128x128xf32, #tpu.memory_space<vmem>>) target(%dma_start3A_350 : memref<128x128xf32, #tpu.memory_space<hbm>>) target_semaphore(%arg21 : memref<!tpu.dma_semaphore, #tpu.memory_space<semaphore_mem>>)
    %dma_wait3A_355 = arith.constant 0 : i32
    %dma_wait3A_356 = arith.constant 0 : i32
    %dma_wait3A_357 = arith.constant 0 : i32
    %dma_wait3A_358 = arith.constant 0 : i32
    %dma_wait3A_359 = tpu.memref_slice %arg8[%dma_wait3A_355, %dma_wait3A_357, %dma_wait3A_358] : memref<5x128x128xf32, #tpu.memory_space<vmem>> -> memref<1x128x128xf32, #tpu.memory_space<vmem>>
    %dma_wait3A_360 = tpu.memref_squeeze %dma_wait3A_359 : memref<1x128x128xf32, #tpu.memory_space<vmem>> -> memref<128x128xf32, #tpu.memory_space<vmem>>
    %dma_wait3A_361 = arith.constant 0 : i32
    %dma_wait3A_362 = arith.constant 0 : i32
    %dma_wait3A_363 = tpu.memref_slice %arg5[%dma_wait3A_356, %dma_wait3A_361, %dma_wait3A_362] : memref<4x8192x128xf32, #tpu.memory_space<hbm>> -> memref<1x8192x128xf32, #tpu.memory_space<hbm>>
    %dma_wait3A_364 = tpu.memref_squeeze %dma_wait3A_363 : memref<1x8192x128xf32, #tpu.memory_space<hbm>> -> memref<8192x128xf32, #tpu.memory_space<hbm>>
    %dma_wait3A_365 = arith.constant 0 : i32
    %dma_wait3A_366 = tpu.memref_slice %dma_wait3A_364[%add3A_332, %dma_wait3A_365] : memref<8192x128xf32, #tpu.memory_space<hbm>> -> memref<128x128xf32, #tpu.memory_space<hbm>>
    %dma_wait3A_367 = arith.constant 0 : i32
    %dma_wait3A_368 = arith.constant 0 : i32
    %dma_wait3A_369 = tpu.memref_slice %arg5[%dma_wait3A_356, %dma_wait3A_367, %dma_wait3A_368] : memref<4x8192x128xf32, #tpu.memory_space<hbm>> -> memref<1x8192x128xf32, #tpu.memory_space<hbm>>
    %dma_wait3A_370 = tpu.memref_squeeze %dma_wait3A_369 : memref<1x8192x128xf32, #tpu.memory_space<hbm>> -> memref<8192x128xf32, #tpu.memory_space<hbm>>
    %dma_wait3A_371 = arith.constant 0 : i32
    %dma_wait3A_372 = tpu.memref_slice %dma_wait3A_370[%add3A_332, %dma_wait3A_371] : memref<8192x128xf32, #tpu.memory_space<hbm>> -> memref<128x128xf32, #tpu.memory_space<hbm>>
    %dma_wait3A_373 = arith.constant 0 : i32
    %dma_wait3A_374 = arith.constant 0 : i32
    %dma_wait3A_375 = tpu.memref_slice %arg8[%dma_wait3A_355, %dma_wait3A_373, %dma_wait3A_374] : memref<5x128x128xf32, #tpu.memory_space<vmem>> -> memref<1x128x128xf32, #tpu.memory_space<vmem>>
    %dma_wait3A_376 = tpu.memref_squeeze %dma_wait3A_375 : memref<1x128x128xf32, #tpu.memory_space<vmem>> -> memref<128x128xf32, #tpu.memory_space<vmem>>
    tpu.wait_dma2 semaphore(%arg21 : memref<!tpu.dma_semaphore, #tpu.memory_space<semaphore_mem>>) src(%dma_wait3A_376 : memref<128x128xf32, #tpu.memory_space<vmem>>) dst(%dma_wait3A_372 : memref<128x128xf32, #tpu.memory_space<hbm>>)
    %dma_wait3A_377 = arith.constant 0 : i32
    %dma_wait3A_378 = arith.constant 0 : i32
    %dma_wait3A_379 = tpu.memref_slice %arg7[%arg1, %dma_wait3A_377, %dma_wait3A_378] : memref<16x256x128xf32, #tpu.memory_space<vmem_shared>> -> memref<1x256x128xf32, #tpu.memory_space<vmem_shared>>
    %dma_wait3A_380 = tpu.memref_squeeze %dma_wait3A_379 : memref<1x256x128xf32, #tpu.memory_space<vmem_shared>> -> memref<256x128xf32, #tpu.memory_space<vmem_shared>>
    %dma_wait3A_381 = arith.constant 0 : i32
    %dma_wait3A_382 = tpu.memref_slice %arg4[%mul3A_61, %dma_wait3A_381] : memref<8192x128xf32, #tpu.memory_space<hbm>> -> memref<256x128xf32, #tpu.memory_space<hbm>>
    tpu.wait_dma2 semaphore(%arg10 : memref<!tpu.dma_semaphore, #tpu.memory_space<semaphore_mem>>) src(%dma_wait3A_382 : memref<256x128xf32, #tpu.memory_space<hbm>>) dst(%dma_wait3A_380 : memref<256x128xf32, #tpu.memory_space<vmem_shared>>)
    %dma_start3A_383 = arith.constant 0 : i32
    %dma_start3A_384 = arith.constant 0 : i32
    %dma_start3A_385 = arith.constant 0 : i32
    %dma_start3A_386 = tpu.memref_slice %arg8[%dma_start3A_383, %dma_start3A_384, %dma_start3A_385] : memref<5x128x128xf32, #tpu.memory_space<vmem>> -> memref<1x128x128xf32, #tpu.memory_space<vmem>>
    %dma_start3A_387 = tpu.memref_squeeze %dma_start3A_386 : memref<1x128x128xf32, #tpu.memory_space<vmem>> -> memref<128x128xf32, #tpu.memory_space<vmem>>
    %dma_start3A_388 = arith.constant 0 : i32
    %dma_start3A_389 = arith.constant 0 : i32
    %dma_start3A_390 = tpu.memref_slice %arg7[%arg1, %dma_start3A_388, %dma_start3A_389] : memref<16x256x128xf32, #tpu.memory_space<vmem_shared>> -> memref<1x256x128xf32, #tpu.memory_space<vmem_shared>>
    %dma_start3A_391 = tpu.memref_squeeze %dma_start3A_390 : memref<1x256x128xf32, #tpu.memory_space<vmem_shared>> -> memref<256x128xf32, #tpu.memory_space<vmem_shared>>
    %dma_start3A_392 = arith.constant 128 : i32
    %dma_start3A_393 = arith.constant 0 : i32
    %dma_start3A_394 = tpu.memref_slice %dma_start3A_391[%dma_start3A_392, %dma_start3A_393] : memref<256x128xf32, #tpu.memory_space<vmem_shared>> -> memref<128x128xf32, #tpu.memory_space<vmem_shared>>
    %dma_start3A_395 = arith.constant 0 : i32
    %dma_start3A_396 = arith.constant 0 : i32
    %dma_start3A_397 = tpu.memref_slice %arg8[%dma_start3A_383, %dma_start3A_395, %dma_start3A_396] : memref<5x128x128xf32, #tpu.memory_space<vmem>> -> memref<1x128x128xf32, #tpu.memory_space<vmem>>
    %dma_start3A_398 = tpu.memref_squeeze %dma_start3A_397 : memref<1x128x128xf32, #tpu.memory_space<vmem>> -> memref<128x128xf32, #tpu.memory_space<vmem>>
    %dma_start3A_399 = arith.constant 0 : i32
    %dma_start3A_400 = arith.constant 0 : i32
    %dma_start3A_401 = tpu.memref_slice %arg7[%arg1, %dma_start3A_399, %dma_start3A_400] : memref<16x256x128xf32, #tpu.memory_space<vmem_shared>> -> memref<1x256x128xf32, #tpu.memory_space<vmem_shared>>
    %dma_start3A_402 = tpu.memref_squeeze %dma_start3A_401 : memref<1x256x128xf32, #tpu.memory_space<vmem_shared>> -> memref<256x128xf32, #tpu.memory_space<vmem_shared>>
    %dma_start3A_403 = arith.constant 128 : i32
    %dma_start3A_404 = arith.constant 0 : i32
    %dma_start3A_405 = tpu.memref_slice %dma_start3A_402[%dma_start3A_403, %dma_start3A_404] : memref<256x128xf32, #tpu.memory_space<vmem_shared>> -> memref<128x128xf32, #tpu.memory_space<vmem_shared>>
    tpu.enqueue_dma source(%dma_start3A_405 : memref<128x128xf32, #tpu.memory_space<vmem_shared>>) target(%dma_start3A_398 : memref<128x128xf32, #tpu.memory_space<vmem>>) target_semaphore(%arg11 : memref<!tpu.dma_semaphore, #tpu.memory_space<semaphore_mem>>)
    %dma_wait3A_406 = arith.constant 0 : i32
    %dma_wait3A_407 = arith.constant 0 : i32
    %dma_wait3A_408 = arith.constant 0 : i32
    %dma_wait3A_409 = tpu.memref_slice %arg8[%dma_wait3A_406, %dma_wait3A_407, %dma_wait3A_408] : memref<5x128x128xf32, #tpu.memory_space<vmem>> -> memref<1x128x128xf32, #tpu.memory_space<vmem>>
    %dma_wait3A_410 = tpu.memref_squeeze %dma_wait3A_409 : memref<1x128x128xf32, #tpu.memory_space<vmem>> -> memref<128x128xf32, #tpu.memory_space<vmem>>
    %dma_wait3A_411 = arith.constant 0 : i32
    %dma_wait3A_412 = arith.constant 0 : i32
    %dma_wait3A_413 = tpu.memref_slice %arg7[%arg1, %dma_wait3A_411, %dma_wait3A_412] : memref<16x256x128xf32, #tpu.memory_space<vmem_shared>> -> memref<1x256x128xf32, #tpu.memory_space<vmem_shared>>
    %dma_wait3A_414 = tpu.memref_squeeze %dma_wait3A_413 : memref<1x256x128xf32, #tpu.memory_space<vmem_shared>> -> memref<256x128xf32, #tpu.memory_space<vmem_shared>>
    %dma_wait3A_415 = arith.constant 128 : i32
    %dma_wait3A_416 = arith.constant 0 : i32
    %dma_wait3A_417 = tpu.memref_slice %dma_wait3A_414[%dma_wait3A_415, %dma_wait3A_416] : memref<256x128xf32, #tpu.memory_space<vmem_shared>> -> memref<128x128xf32, #tpu.memory_space<vmem_shared>>
    %dma_wait3A_418 = arith.constant 0 : i32
    %dma_wait3A_419 = arith.constant 0 : i32
    %dma_wait3A_420 = tpu.memref_slice %arg8[%dma_wait3A_406, %dma_wait3A_418, %dma_wait3A_419] : memref<5x128x128xf32, #tpu.memory_space<vmem>> -> memref<1x128x128xf32, #tpu.memory_space<vmem>>
    %dma_wait3A_421 = tpu.memref_squeeze %dma_wait3A_420 : memref<1x128x128xf32, #tpu.memory_space<vmem>> -> memref<128x128xf32, #tpu.memory_space<vmem>>
    %dma_wait3A_422 = arith.constant 0 : i32
    %dma_wait3A_423 = arith.constant 0 : i32
    %dma_wait3A_424 = tpu.memref_slice %arg7[%arg1, %dma_wait3A_422, %dma_wait3A_423] : memref<16x256x128xf32, #tpu.memory_space<vmem_shared>> -> memref<1x256x128xf32, #tpu.memory_space<vmem_shared>>
    %dma_wait3A_425 = tpu.memref_squeeze %dma_wait3A_424 : memref<1x256x128xf32, #tpu.memory_space<vmem_shared>> -> memref<256x128xf32, #tpu.memory_space<vmem_shared>>
    %dma_wait3A_426 = arith.constant 128 : i32
    %dma_wait3A_427 = arith.constant 0 : i32
    %dma_wait3A_428 = tpu.memref_slice %dma_wait3A_425[%dma_wait3A_426, %dma_wait3A_427] : memref<256x128xf32, #tpu.memory_space<vmem_shared>> -> memref<128x128xf32, #tpu.memory_space<vmem_shared>>
    tpu.wait_dma2 semaphore(%arg11 : memref<!tpu.dma_semaphore, #tpu.memory_space<semaphore_mem>>) src(%dma_wait3A_428 : memref<128x128xf32, #tpu.memory_space<vmem_shared>>) dst(%dma_wait3A_421 : memref<128x128xf32, #tpu.memory_space<vmem>>)
    %dma_start3A_429 = arith.constant 0 : i32
    %dma_start3A_430 = arith.constant 0 : i32
    %dma_start3A_431 = arith.constant 0 : i32
    %dma_start3A_432 = tpu.memref_slice %arg8[%dma_start3A_429, %dma_start3A_430, %dma_start3A_431] : memref<5x128x128xf32, #tpu.memory_space<vmem>> -> memref<1x128x128xf32, #tpu.memory_space<vmem>>
    %dma_start3A_433 = tpu.memref_squeeze %dma_start3A_432 : memref<1x128x128xf32, #tpu.memory_space<vmem>> -> memref<128x128xf32, #tpu.memory_space<vmem>>
    %dma_start3A_434 = arith.constant 640 : i32
    %dma_start3A_435 = tpu.memref_slice %arg6[%dma_start3A_434] : memref<1024xi32, #tpu.memory_space<vmem>> -> memref<128xi32, #tpu.memory_space<vmem>>
    %dma_start3A_436 = arith.constant 0 : i32
    %dma_start3A_437 = arith.constant 0 : i32
    %dma_start3A_438 = tpu.memref_slice %arg3[%dma_start3A_436, %dma_start3A_437] : memref<100000x128xf32, #tpu.memory_space<hbm>> -> memref<100000x128xf32, #tpu.memory_space<hbm>>
    tpu.enqueue_indirect_dma source(%dma_start3A_438 : memref<100000x128xf32, #tpu.memory_space<hbm>>) target(%dma_start3A_433 : memref<128x128xf32, #tpu.memory_space<vmem>>) offsets(%dma_start3A_435 : memref<128xi32, #tpu.memory_space<vmem>>) semaphore(%arg16 : memref<!tpu.dma_semaphore, #tpu.memory_space<semaphore_mem>>) {add = true}
    %dma_wait3A_439 = arith.constant 1 : i32
    %dma_wait3A_440 = arith.constant 0 : i32
    %dma_wait3A_441 = arith.constant 0 : i32
    %dma_wait3A_442 = tpu.memref_slice %arg8[%dma_wait3A_439, %dma_wait3A_440, %dma_wait3A_441] : memref<5x128x128xf32, #tpu.memory_space<vmem>> -> memref<1x128x128xf32, #tpu.memory_space<vmem>>
    %dma_wait3A_443 = tpu.memref_squeeze %dma_wait3A_442 : memref<1x128x128xf32, #tpu.memory_space<vmem>> -> memref<128x128xf32, #tpu.memory_space<vmem>>
    %dma_wait3A_444 = arith.constant 128 : i32
    %dma_wait3A_445 = tpu.memref_slice %arg6[%dma_wait3A_444] : memref<1024xi32, #tpu.memory_space<vmem>> -> memref<128xi32, #tpu.memory_space<vmem>>
    %dma_wait3A_446 = arith.constant 0 : i32
    %dma_wait3A_447 = arith.constant 0 : i32
    %dma_wait3A_448 = tpu.memref_slice %arg3[%dma_wait3A_446, %dma_wait3A_447] : memref<100000x128xf32, #tpu.memory_space<hbm>> -> memref<100000x128xf32, #tpu.memory_space<hbm>>
    tpu.wait_indirect_dma semaphore(%arg17 : memref<!tpu.dma_semaphore, #tpu.memory_space<semaphore_mem>>) src(%dma_wait3A_448 : memref<100000x128xf32, #tpu.memory_space<hbm>>) dst(%dma_wait3A_443 : memref<128x128xf32, #tpu.memory_space<vmem>>)
    %mul3A_449 = arith.constant 256 : i32
    %mul3A_450 = arith.muli %add3A, %mul3A_449 : i32
    %add3A_451 = arith.constant 128 : i32
    %add3A_452 = arith.addi %mul3A_450, %add3A_451 : i32
    %dma_start3A_453 = arith.constant 1 : i32
    %dma_start3A_454 = arith.constant 0 : i32
    %dma_start3A_455 = arith.constant 0 : i32
    %dma_start3A_456 = arith.constant 0 : i32
    %dma_start3A_457 = tpu.memref_slice %arg8[%dma_start3A_453, %dma_start3A_455, %dma_start3A_456] : memref<5x128x128xf32, #tpu.memory_space<vmem>> -> memref<1x128x128xf32, #tpu.memory_space<vmem>>
    %dma_start3A_458 = tpu.memref_squeeze %dma_start3A_457 : memref<1x128x128xf32, #tpu.memory_space<vmem>> -> memref<128x128xf32, #tpu.memory_space<vmem>>
    %dma_start3A_459 = arith.constant 0 : i32
    %dma_start3A_460 = arith.constant 0 : i32
    %dma_start3A_461 = tpu.memref_slice %arg5[%dma_start3A_454, %dma_start3A_459, %dma_start3A_460] : memref<4x8192x128xf32, #tpu.memory_space<hbm>> -> memref<1x8192x128xf32, #tpu.memory_space<hbm>>
    %dma_start3A_462 = tpu.memref_squeeze %dma_start3A_461 : memref<1x8192x128xf32, #tpu.memory_space<hbm>> -> memref<8192x128xf32, #tpu.memory_space<hbm>>
    %dma_start3A_463 = arith.constant 0 : i32
    %dma_start3A_464 = tpu.memref_slice %dma_start3A_462[%add3A_452, %dma_start3A_463] : memref<8192x128xf32, #tpu.memory_space<hbm>> -> memref<128x128xf32, #tpu.memory_space<hbm>>
    %dma_start3A_465 = arith.constant 0 : i32
    %dma_start3A_466 = arith.constant 0 : i32
    %dma_start3A_467 = tpu.memref_slice %arg5[%dma_start3A_454, %dma_start3A_465, %dma_start3A_466] : memref<4x8192x128xf32, #tpu.memory_space<hbm>> -> memref<1x8192x128xf32, #tpu.memory_space<hbm>>
    %dma_start3A_468 = tpu.memref_squeeze %dma_start3A_467 : memref<1x8192x128xf32, #tpu.memory_space<hbm>> -> memref<8192x128xf32, #tpu.memory_space<hbm>>
    %dma_start3A_469 = arith.constant 0 : i32
    %dma_start3A_470 = tpu.memref_slice %dma_start3A_468[%add3A_452, %dma_start3A_469] : memref<8192x128xf32, #tpu.memory_space<hbm>> -> memref<128x128xf32, #tpu.memory_space<hbm>>
    %dma_start3A_471 = arith.constant 0 : i32
    %dma_start3A_472 = arith.constant 0 : i32
    %dma_start3A_473 = tpu.memref_slice %arg8[%dma_start3A_453, %dma_start3A_471, %dma_start3A_472] : memref<5x128x128xf32, #tpu.memory_space<vmem>> -> memref<1x128x128xf32, #tpu.memory_space<vmem>>
    %dma_start3A_474 = tpu.memref_squeeze %dma_start3A_473 : memref<1x128x128xf32, #tpu.memory_space<vmem>> -> memref<128x128xf32, #tpu.memory_space<vmem>>
    tpu.enqueue_dma source(%dma_start3A_474 : memref<128x128xf32, #tpu.memory_space<vmem>>) target(%dma_start3A_470 : memref<128x128xf32, #tpu.memory_space<hbm>>) target_semaphore(%arg22 : memref<!tpu.dma_semaphore, #tpu.memory_space<semaphore_mem>>)
    %dma_wait3A_475 = arith.constant 1 : i32
    %dma_wait3A_476 = arith.constant 0 : i32
    %dma_wait3A_477 = arith.constant 0 : i32
    %dma_wait3A_478 = arith.constant 0 : i32
    %dma_wait3A_479 = tpu.memref_slice %arg8[%dma_wait3A_475, %dma_wait3A_477, %dma_wait3A_478] : memref<5x128x128xf32, #tpu.memory_space<vmem>> -> memref<1x128x128xf32, #tpu.memory_space<vmem>>
    %dma_wait3A_480 = tpu.memref_squeeze %dma_wait3A_479 : memref<1x128x128xf32, #tpu.memory_space<vmem>> -> memref<128x128xf32, #tpu.memory_space<vmem>>
    %dma_wait3A_481 = arith.constant 0 : i32
    %dma_wait3A_482 = arith.constant 0 : i32
    %dma_wait3A_483 = tpu.memref_slice %arg5[%dma_wait3A_476, %dma_wait3A_481, %dma_wait3A_482] : memref<4x8192x128xf32, #tpu.memory_space<hbm>> -> memref<1x8192x128xf32, #tpu.memory_space<hbm>>
    %dma_wait3A_484 = tpu.memref_squeeze %dma_wait3A_483 : memref<1x8192x128xf32, #tpu.memory_space<hbm>> -> memref<8192x128xf32, #tpu.memory_space<hbm>>
    %dma_wait3A_485 = arith.constant 0 : i32
    %dma_wait3A_486 = tpu.memref_slice %dma_wait3A_484[%add3A_452, %dma_wait3A_485] : memref<8192x128xf32, #tpu.memory_space<hbm>> -> memref<128x128xf32, #tpu.memory_space<hbm>>
    %dma_wait3A_487 = arith.constant 0 : i32
    %dma_wait3A_488 = arith.constant 0 : i32
    %dma_wait3A_489 = tpu.memref_slice %arg5[%dma_wait3A_476, %dma_wait3A_487, %dma_wait3A_488] : memref<4x8192x128xf32, #tpu.memory_space<hbm>> -> memref<1x8192x128xf32, #tpu.memory_space<hbm>>
    %dma_wait3A_490 = tpu.memref_squeeze %dma_wait3A_489 : memref<1x8192x128xf32, #tpu.memory_space<hbm>> -> memref<8192x128xf32, #tpu.memory_space<hbm>>
    %dma_wait3A_491 = arith.constant 0 : i32
    %dma_wait3A_492 = tpu.memref_slice %dma_wait3A_490[%add3A_452, %dma_wait3A_491] : memref<8192x128xf32, #tpu.memory_space<hbm>> -> memref<128x128xf32, #tpu.memory_space<hbm>>
    %dma_wait3A_493 = arith.constant 0 : i32
    %dma_wait3A_494 = arith.constant 0 : i32
    %dma_wait3A_495 = tpu.memref_slice %arg8[%dma_wait3A_475, %dma_wait3A_493, %dma_wait3A_494] : memref<5x128x128xf32, #tpu.memory_space<vmem>> -> memref<1x128x128xf32, #tpu.memory_space<vmem>>
    %dma_wait3A_496 = tpu.memref_squeeze %dma_wait3A_495 : memref<1x128x128xf32, #tpu.memory_space<vmem>> -> memref<128x128xf32, #tpu.memory_space<vmem>>
    tpu.wait_dma2 semaphore(%arg22 : memref<!tpu.dma_semaphore, #tpu.memory_space<semaphore_mem>>) src(%dma_wait3A_496 : memref<128x128xf32, #tpu.memory_space<vmem>>) dst(%dma_wait3A_492 : memref<128x128xf32, #tpu.memory_space<hbm>>)
    %dma_start3A_497 = arith.constant 1 : i32
    %dma_start3A_498 = arith.constant 0 : i32
    %dma_start3A_499 = arith.constant 0 : i32
    %dma_start3A_500 = tpu.memref_slice %arg8[%dma_start3A_497, %dma_start3A_498, %dma_start3A_499] : memref<5x128x128xf32, #tpu.memory_space<vmem>> -> memref<1x128x128xf32, #tpu.memory_space<vmem>>
    %dma_start3A_501 = tpu.memref_squeeze %dma_start3A_500 : memref<1x128x128xf32, #tpu.memory_space<vmem>> -> memref<128x128xf32, #tpu.memory_space<vmem>>
    %dma_start3A_502 = arith.constant 0 : i32
    %dma_start3A_503 = arith.constant 0 : i32
    %dma_start3A_504 = tpu.memref_slice %arg7[%arg1, %dma_start3A_502, %dma_start3A_503] : memref<16x256x128xf32, #tpu.memory_space<vmem_shared>> -> memref<1x256x128xf32, #tpu.memory_space<vmem_shared>>
    %dma_start3A_505 = tpu.memref_squeeze %dma_start3A_504 : memref<1x256x128xf32, #tpu.memory_space<vmem_shared>> -> memref<256x128xf32, #tpu.memory_space<vmem_shared>>
    %dma_start3A_506 = arith.constant 0 : i32
    %dma_start3A_507 = arith.constant 0 : i32
    %dma_start3A_508 = tpu.memref_slice %dma_start3A_505[%dma_start3A_506, %dma_start3A_507] : memref<256x128xf32, #tpu.memory_space<vmem_shared>> -> memref<128x128xf32, #tpu.memory_space<vmem_shared>>
    %dma_start3A_509 = arith.constant 0 : i32
    %dma_start3A_510 = arith.constant 0 : i32
    %dma_start3A_511 = tpu.memref_slice %arg8[%dma_start3A_497, %dma_start3A_509, %dma_start3A_510] : memref<5x128x128xf32, #tpu.memory_space<vmem>> -> memref<1x128x128xf32, #tpu.memory_space<vmem>>
    %dma_start3A_512 = tpu.memref_squeeze %dma_start3A_511 : memref<1x128x128xf32, #tpu.memory_space<vmem>> -> memref<128x128xf32, #tpu.memory_space<vmem>>
    %dma_start3A_513 = arith.constant 0 : i32
    %dma_start3A_514 = arith.constant 0 : i32
    %dma_start3A_515 = tpu.memref_slice %arg7[%arg1, %dma_start3A_513, %dma_start3A_514] : memref<16x256x128xf32, #tpu.memory_space<vmem_shared>> -> memref<1x256x128xf32, #tpu.memory_space<vmem_shared>>
    %dma_start3A_516 = tpu.memref_squeeze %dma_start3A_515 : memref<1x256x128xf32, #tpu.memory_space<vmem_shared>> -> memref<256x128xf32, #tpu.memory_space<vmem_shared>>
    %dma_start3A_517 = arith.constant 0 : i32
    %dma_start3A_518 = arith.constant 0 : i32
    %dma_start3A_519 = tpu.memref_slice %dma_start3A_516[%dma_start3A_517, %dma_start3A_518] : memref<256x128xf32, #tpu.memory_space<vmem_shared>> -> memref<128x128xf32, #tpu.memory_space<vmem_shared>>
    tpu.enqueue_dma source(%dma_start3A_519 : memref<128x128xf32, #tpu.memory_space<vmem_shared>>) target(%dma_start3A_512 : memref<128x128xf32, #tpu.memory_space<vmem>>) target_semaphore(%arg12 : memref<!tpu.dma_semaphore, #tpu.memory_space<semaphore_mem>>)
    %dma_wait3A_520 = arith.constant 1 : i32
    %dma_wait3A_521 = arith.constant 0 : i32
    %dma_wait3A_522 = arith.constant 0 : i32
    %dma_wait3A_523 = tpu.memref_slice %arg8[%dma_wait3A_520, %dma_wait3A_521, %dma_wait3A_522] : memref<5x128x128xf32, #tpu.memory_space<vmem>> -> memref<1x128x128xf32, #tpu.memory_space<vmem>>
    %dma_wait3A_524 = tpu.memref_squeeze %dma_wait3A_523 : memref<1x128x128xf32, #tpu.memory_space<vmem>> -> memref<128x128xf32, #tpu.memory_space<vmem>>
    %dma_wait3A_525 = arith.constant 0 : i32
    %dma_wait3A_526 = arith.constant 0 : i32
    %dma_wait3A_527 = tpu.memref_slice %arg7[%arg1, %dma_wait3A_525, %dma_wait3A_526] : memref<16x256x128xf32, #tpu.memory_space<vmem_shared>> -> memref<1x256x128xf32, #tpu.memory_space<vmem_shared>>
    %dma_wait3A_528 = tpu.memref_squeeze %dma_wait3A_527 : memref<1x256x128xf32, #tpu.memory_space<vmem_shared>> -> memref<256x128xf32, #tpu.memory_space<vmem_shared>>
    %dma_wait3A_529 = arith.constant 0 : i32
    %dma_wait3A_530 = arith.constant 0 : i32
    %dma_wait3A_531 = tpu.memref_slice %dma_wait3A_528[%dma_wait3A_529, %dma_wait3A_530] : memref<256x128xf32, #tpu.memory_space<vmem_shared>> -> memref<128x128xf32, #tpu.memory_space<vmem_shared>>
    %dma_wait3A_532 = arith.constant 0 : i32
    %dma_wait3A_533 = arith.constant 0 : i32
    %dma_wait3A_534 = tpu.memref_slice %arg8[%dma_wait3A_520, %dma_wait3A_532, %dma_wait3A_533] : memref<5x128x128xf32, #tpu.memory_space<vmem>> -> memref<1x128x128xf32, #tpu.memory_space<vmem>>
    %dma_wait3A_535 = tpu.memref_squeeze %dma_wait3A_534 : memref<1x128x128xf32, #tpu.memory_space<vmem>> -> memref<128x128xf32, #tpu.memory_space<vmem>>
    %dma_wait3A_536 = arith.constant 0 : i32
    %dma_wait3A_537 = arith.constant 0 : i32
    %dma_wait3A_538 = tpu.memref_slice %arg7[%arg1, %dma_wait3A_536, %dma_wait3A_537] : memref<16x256x128xf32, #tpu.memory_space<vmem_shared>> -> memref<1x256x128xf32, #tpu.memory_space<vmem_shared>>
    %dma_wait3A_539 = tpu.memref_squeeze %dma_wait3A_538 : memref<1x256x128xf32, #tpu.memory_space<vmem_shared>> -> memref<256x128xf32, #tpu.memory_space<vmem_shared>>
    %dma_wait3A_540 = arith.constant 0 : i32
    %dma_wait3A_541 = arith.constant 0 : i32
    %dma_wait3A_542 = tpu.memref_slice %dma_wait3A_539[%dma_wait3A_540, %dma_wait3A_541] : memref<256x128xf32, #tpu.memory_space<vmem_shared>> -> memref<128x128xf32, #tpu.memory_space<vmem_shared>>
    tpu.wait_dma2 semaphore(%arg12 : memref<!tpu.dma_semaphore, #tpu.memory_space<semaphore_mem>>) src(%dma_wait3A_542 : memref<128x128xf32, #tpu.memory_space<vmem_shared>>) dst(%dma_wait3A_535 : memref<128x128xf32, #tpu.memory_space<vmem>>)
    %dma_start3A_543 = arith.constant 1 : i32
    %dma_start3A_544 = arith.constant 0 : i32
    %dma_start3A_545 = arith.constant 0 : i32
    %dma_start3A_546 = tpu.memref_slice %arg8[%dma_start3A_543, %dma_start3A_544, %dma_start3A_545] : memref<5x128x128xf32, #tpu.memory_space<vmem>> -> memref<1x128x128xf32, #tpu.memory_space<vmem>>
    %dma_start3A_547 = tpu.memref_squeeze %dma_start3A_546 : memref<1x128x128xf32, #tpu.memory_space<vmem>> -> memref<128x128xf32, #tpu.memory_space<vmem>>
    %dma_start3A_548 = arith.constant 768 : i32
    %dma_start3A_549 = tpu.memref_slice %arg6[%dma_start3A_548] : memref<1024xi32, #tpu.memory_space<vmem>> -> memref<128xi32, #tpu.memory_space<vmem>>
    %dma_start3A_550 = arith.constant 0 : i32
    %dma_start3A_551 = arith.constant 0 : i32
    %dma_start3A_552 = tpu.memref_slice %arg3[%dma_start3A_550, %dma_start3A_551] : memref<100000x128xf32, #tpu.memory_space<hbm>> -> memref<100000x128xf32, #tpu.memory_space<hbm>>
    tpu.enqueue_indirect_dma source(%dma_start3A_552 : memref<100000x128xf32, #tpu.memory_space<hbm>>) target(%dma_start3A_547 : memref<128x128xf32, #tpu.memory_space<vmem>>) offsets(%dma_start3A_549 : memref<128xi32, #tpu.memory_space<vmem>>) semaphore(%arg17 : memref<!tpu.dma_semaphore, #tpu.memory_space<semaphore_mem>>) {add = true}
    %dma_wait3A_553 = arith.constant 2 : i32
    %dma_wait3A_554 = arith.constant 0 : i32
    %dma_wait3A_555 = arith.constant 0 : i32
    %dma_wait3A_556 = tpu.memref_slice %arg8[%dma_wait3A_553, %dma_wait3A_554, %dma_wait3A_555] : memref<5x128x128xf32, #tpu.memory_space<vmem>> -> memref<1x128x128xf32, #tpu.memory_space<vmem>>
    %dma_wait3A_557 = tpu.memref_squeeze %dma_wait3A_556 : memref<1x128x128xf32, #tpu.memory_space<vmem>> -> memref<128x128xf32, #tpu.memory_space<vmem>>
    %dma_wait3A_558 = arith.constant 256 : i32
    %dma_wait3A_559 = tpu.memref_slice %arg6[%dma_wait3A_558] : memref<1024xi32, #tpu.memory_space<vmem>> -> memref<128xi32, #tpu.memory_space<vmem>>
    %dma_wait3A_560 = arith.constant 0 : i32
    %dma_wait3A_561 = arith.constant 0 : i32
    %dma_wait3A_562 = tpu.memref_slice %arg3[%dma_wait3A_560, %dma_wait3A_561] : memref<100000x128xf32, #tpu.memory_space<hbm>> -> memref<100000x128xf32, #tpu.memory_space<hbm>>
    tpu.wait_indirect_dma semaphore(%arg18 : memref<!tpu.dma_semaphore, #tpu.memory_space<semaphore_mem>>) src(%dma_wait3A_562 : memref<100000x128xf32, #tpu.memory_space<hbm>>) dst(%dma_wait3A_557 : memref<128x128xf32, #tpu.memory_space<vmem>>)
    %mul3A_563 = arith.constant 256 : i32
    %mul3A_564 = arith.muli %add3A, %mul3A_563 : i32
    %add3A_565 = arith.constant 0 : i32
    %add3A_566 = arith.addi %mul3A_564, %add3A_565 : i32
    %dma_start3A_567 = arith.constant 2 : i32
    %dma_start3A_568 = arith.constant 1 : i32
    %dma_start3A_569 = arith.constant 0 : i32
    %dma_start3A_570 = arith.constant 0 : i32
    %dma_start3A_571 = tpu.memref_slice %arg8[%dma_start3A_567, %dma_start3A_569, %dma_start3A_570] : memref<5x128x128xf32, #tpu.memory_space<vmem>> -> memref<1x128x128xf32, #tpu.memory_space<vmem>>
    %dma_start3A_572 = tpu.memref_squeeze %dma_start3A_571 : memref<1x128x128xf32, #tpu.memory_space<vmem>> -> memref<128x128xf32, #tpu.memory_space<vmem>>
    %dma_start3A_573 = arith.constant 0 : i32
    %dma_start3A_574 = arith.constant 0 : i32
    %dma_start3A_575 = tpu.memref_slice %arg5[%dma_start3A_568, %dma_start3A_573, %dma_start3A_574] : memref<4x8192x128xf32, #tpu.memory_space<hbm>> -> memref<1x8192x128xf32, #tpu.memory_space<hbm>>
    %dma_start3A_576 = tpu.memref_squeeze %dma_start3A_575 : memref<1x8192x128xf32, #tpu.memory_space<hbm>> -> memref<8192x128xf32, #tpu.memory_space<hbm>>
    %dma_start3A_577 = arith.constant 0 : i32
    %dma_start3A_578 = tpu.memref_slice %dma_start3A_576[%add3A_566, %dma_start3A_577] : memref<8192x128xf32, #tpu.memory_space<hbm>> -> memref<128x128xf32, #tpu.memory_space<hbm>>
    %dma_start3A_579 = arith.constant 0 : i32
    %dma_start3A_580 = arith.constant 0 : i32
    %dma_start3A_581 = tpu.memref_slice %arg5[%dma_start3A_568, %dma_start3A_579, %dma_start3A_580] : memref<4x8192x128xf32, #tpu.memory_space<hbm>> -> memref<1x8192x128xf32, #tpu.memory_space<hbm>>
    %dma_start3A_582 = tpu.memref_squeeze %dma_start3A_581 : memref<1x8192x128xf32, #tpu.memory_space<hbm>> -> memref<8192x128xf32, #tpu.memory_space<hbm>>
    %dma_start3A_583 = arith.constant 0 : i32
    %dma_start3A_584 = tpu.memref_slice %dma_start3A_582[%add3A_566, %dma_start3A_583] : memref<8192x128xf32, #tpu.memory_space<hbm>> -> memref<128x128xf32, #tpu.memory_space<hbm>>
    %dma_start3A_585 = arith.constant 0 : i32
    %dma_start3A_586 = arith.constant 0 : i32
    %dma_start3A_587 = tpu.memref_slice %arg8[%dma_start3A_567, %dma_start3A_585, %dma_start3A_586] : memref<5x128x128xf32, #tpu.memory_space<vmem>> -> memref<1x128x128xf32, #tpu.memory_space<vmem>>
    %dma_start3A_588 = tpu.memref_squeeze %dma_start3A_587 : memref<1x128x128xf32, #tpu.memory_space<vmem>> -> memref<128x128xf32, #tpu.memory_space<vmem>>
    tpu.enqueue_dma source(%dma_start3A_588 : memref<128x128xf32, #tpu.memory_space<vmem>>) target(%dma_start3A_584 : memref<128x128xf32, #tpu.memory_space<hbm>>) target_semaphore(%arg23 : memref<!tpu.dma_semaphore, #tpu.memory_space<semaphore_mem>>)
    %dma_wait3A_589 = arith.constant 2 : i32
    %dma_wait3A_590 = arith.constant 1 : i32
    %dma_wait3A_591 = arith.constant 0 : i32
    %dma_wait3A_592 = arith.constant 0 : i32
    %dma_wait3A_593 = tpu.memref_slice %arg8[%dma_wait3A_589, %dma_wait3A_591, %dma_wait3A_592] : memref<5x128x128xf32, #tpu.memory_space<vmem>> -> memref<1x128x128xf32, #tpu.memory_space<vmem>>
    %dma_wait3A_594 = tpu.memref_squeeze %dma_wait3A_593 : memref<1x128x128xf32, #tpu.memory_space<vmem>> -> memref<128x128xf32, #tpu.memory_space<vmem>>
    %dma_wait3A_595 = arith.constant 0 : i32
    %dma_wait3A_596 = arith.constant 0 : i32
    %dma_wait3A_597 = tpu.memref_slice %arg5[%dma_wait3A_590, %dma_wait3A_595, %dma_wait3A_596] : memref<4x8192x128xf32, #tpu.memory_space<hbm>> -> memref<1x8192x128xf32, #tpu.memory_space<hbm>>
    %dma_wait3A_598 = tpu.memref_squeeze %dma_wait3A_597 : memref<1x8192x128xf32, #tpu.memory_space<hbm>> -> memref<8192x128xf32, #tpu.memory_space<hbm>>
    %dma_wait3A_599 = arith.constant 0 : i32
    %dma_wait3A_600 = tpu.memref_slice %dma_wait3A_598[%add3A_566, %dma_wait3A_599] : memref<8192x128xf32, #tpu.memory_space<hbm>> -> memref<128x128xf32, #tpu.memory_space<hbm>>
    %dma_wait3A_601 = arith.constant 0 : i32
    %dma_wait3A_602 = arith.constant 0 : i32
    %dma_wait3A_603 = tpu.memref_slice %arg5[%dma_wait3A_590, %dma_wait3A_601, %dma_wait3A_602] : memref<4x8192x128xf32, #tpu.memory_space<hbm>> -> memref<1x8192x128xf32, #tpu.memory_space<hbm>>
    %dma_wait3A_604 = tpu.memref_squeeze %dma_wait3A_603 : memref<1x8192x128xf32, #tpu.memory_space<hbm>> -> memref<8192x128xf32, #tpu.memory_space<hbm>>
    %dma_wait3A_605 = arith.constant 0 : i32
    %dma_wait3A_606 = tpu.memref_slice %dma_wait3A_604[%add3A_566, %dma_wait3A_605] : memref<8192x128xf32, #tpu.memory_space<hbm>> -> memref<128x128xf32, #tpu.memory_space<hbm>>
    %dma_wait3A_607 = arith.constant 0 : i32
    %dma_wait3A_608 = arith.constant 0 : i32
    %dma_wait3A_609 = tpu.memref_slice %arg8[%dma_wait3A_589, %dma_wait3A_607, %dma_wait3A_608] : memref<5x128x128xf32, #tpu.memory_space<vmem>> -> memref<1x128x128xf32, #tpu.memory_space<vmem>>
    %dma_wait3A_610 = tpu.memref_squeeze %dma_wait3A_609 : memref<1x128x128xf32, #tpu.memory_space<vmem>> -> memref<128x128xf32, #tpu.memory_space<vmem>>
    tpu.wait_dma2 semaphore(%arg23 : memref<!tpu.dma_semaphore, #tpu.memory_space<semaphore_mem>>) src(%dma_wait3A_610 : memref<128x128xf32, #tpu.memory_space<vmem>>) dst(%dma_wait3A_606 : memref<128x128xf32, #tpu.memory_space<hbm>>)
    %dma_start3A_611 = arith.constant 2 : i32
    %dma_start3A_612 = arith.constant 0 : i32
    %dma_start3A_613 = arith.constant 0 : i32
    %dma_start3A_614 = tpu.memref_slice %arg8[%dma_start3A_611, %dma_start3A_612, %dma_start3A_613] : memref<5x128x128xf32, #tpu.memory_space<vmem>> -> memref<1x128x128xf32, #tpu.memory_space<vmem>>
    %dma_start3A_615 = tpu.memref_squeeze %dma_start3A_614 : memref<1x128x128xf32, #tpu.memory_space<vmem>> -> memref<128x128xf32, #tpu.memory_space<vmem>>
    %dma_start3A_616 = arith.constant 0 : i32
    %dma_start3A_617 = arith.constant 0 : i32
    %dma_start3A_618 = tpu.memref_slice %arg7[%arg1, %dma_start3A_616, %dma_start3A_617] : memref<16x256x128xf32, #tpu.memory_space<vmem_shared>> -> memref<1x256x128xf32, #tpu.memory_space<vmem_shared>>
    %dma_start3A_619 = tpu.memref_squeeze %dma_start3A_618 : memref<1x256x128xf32, #tpu.memory_space<vmem_shared>> -> memref<256x128xf32, #tpu.memory_space<vmem_shared>>
    %dma_start3A_620 = arith.constant 128 : i32
    %dma_start3A_621 = arith.constant 0 : i32
    %dma_start3A_622 = tpu.memref_slice %dma_start3A_619[%dma_start3A_620, %dma_start3A_621] : memref<256x128xf32, #tpu.memory_space<vmem_shared>> -> memref<128x128xf32, #tpu.memory_space<vmem_shared>>
    %dma_start3A_623 = arith.constant 0 : i32
    %dma_start3A_624 = arith.constant 0 : i32
    %dma_start3A_625 = tpu.memref_slice %arg8[%dma_start3A_611, %dma_start3A_623, %dma_start3A_624] : memref<5x128x128xf32, #tpu.memory_space<vmem>> -> memref<1x128x128xf32, #tpu.memory_space<vmem>>
    %dma_start3A_626 = tpu.memref_squeeze %dma_start3A_625 : memref<1x128x128xf32, #tpu.memory_space<vmem>> -> memref<128x128xf32, #tpu.memory_space<vmem>>
    %dma_start3A_627 = arith.constant 0 : i32
    %dma_start3A_628 = arith.constant 0 : i32
    %dma_start3A_629 = tpu.memref_slice %arg7[%arg1, %dma_start3A_627, %dma_start3A_628] : memref<16x256x128xf32, #tpu.memory_space<vmem_shared>> -> memref<1x256x128xf32, #tpu.memory_space<vmem_shared>>
    %dma_start3A_630 = tpu.memref_squeeze %dma_start3A_629 : memref<1x256x128xf32, #tpu.memory_space<vmem_shared>> -> memref<256x128xf32, #tpu.memory_space<vmem_shared>>
    %dma_start3A_631 = arith.constant 128 : i32
    %dma_start3A_632 = arith.constant 0 : i32
    %dma_start3A_633 = tpu.memref_slice %dma_start3A_630[%dma_start3A_631, %dma_start3A_632] : memref<256x128xf32, #tpu.memory_space<vmem_shared>> -> memref<128x128xf32, #tpu.memory_space<vmem_shared>>
    tpu.enqueue_dma source(%dma_start3A_633 : memref<128x128xf32, #tpu.memory_space<vmem_shared>>) target(%dma_start3A_626 : memref<128x128xf32, #tpu.memory_space<vmem>>) target_semaphore(%arg13 : memref<!tpu.dma_semaphore, #tpu.memory_space<semaphore_mem>>)
    %dma_wait3A_634 = arith.constant 2 : i32
    %dma_wait3A_635 = arith.constant 0 : i32
    %dma_wait3A_636 = arith.constant 0 : i32
    %dma_wait3A_637 = tpu.memref_slice %arg8[%dma_wait3A_634, %dma_wait3A_635, %dma_wait3A_636] : memref<5x128x128xf32, #tpu.memory_space<vmem>> -> memref<1x128x128xf32, #tpu.memory_space<vmem>>
    %dma_wait3A_638 = tpu.memref_squeeze %dma_wait3A_637 : memref<1x128x128xf32, #tpu.memory_space<vmem>> -> memref<128x128xf32, #tpu.memory_space<vmem>>
    %dma_wait3A_639 = arith.constant 0 : i32
    %dma_wait3A_640 = arith.constant 0 : i32
    %dma_wait3A_641 = tpu.memref_slice %arg7[%arg1, %dma_wait3A_639, %dma_wait3A_640] : memref<16x256x128xf32, #tpu.memory_space<vmem_shared>> -> memref<1x256x128xf32, #tpu.memory_space<vmem_shared>>
    %dma_wait3A_642 = tpu.memref_squeeze %dma_wait3A_641 : memref<1x256x128xf32, #tpu.memory_space<vmem_shared>> -> memref<256x128xf32, #tpu.memory_space<vmem_shared>>
    %dma_wait3A_643 = arith.constant 128 : i32
    %dma_wait3A_644 = arith.constant 0 : i32
    %dma_wait3A_645 = tpu.memref_slice %dma_wait3A_642[%dma_wait3A_643, %dma_wait3A_644] : memref<256x128xf32, #tpu.memory_space<vmem_shared>> -> memref<128x128xf32, #tpu.memory_space<vmem_shared>>
    %dma_wait3A_646 = arith.constant 0 : i32
    %dma_wait3A_647 = arith.constant 0 : i32
    %dma_wait3A_648 = tpu.memref_slice %arg8[%dma_wait3A_634, %dma_wait3A_646, %dma_wait3A_647] : memref<5x128x128xf32, #tpu.memory_space<vmem>> -> memref<1x128x128xf32, #tpu.memory_space<vmem>>
    %dma_wait3A_649 = tpu.memref_squeeze %dma_wait3A_648 : memref<1x128x128xf32, #tpu.memory_space<vmem>> -> memref<128x128xf32, #tpu.memory_space<vmem>>
    %dma_wait3A_650 = arith.constant 0 : i32
    %dma_wait3A_651 = arith.constant 0 : i32
    %dma_wait3A_652 = tpu.memref_slice %arg7[%arg1, %dma_wait3A_650, %dma_wait3A_651] : memref<16x256x128xf32, #tpu.memory_space<vmem_shared>> -> memref<1x256x128xf32, #tpu.memory_space<vmem_shared>>
    %dma_wait3A_653 = tpu.memref_squeeze %dma_wait3A_652 : memref<1x256x128xf32, #tpu.memory_space<vmem_shared>> -> memref<256x128xf32, #tpu.memory_space<vmem_shared>>
    %dma_wait3A_654 = arith.constant 128 : i32
    %dma_wait3A_655 = arith.constant 0 : i32
    %dma_wait3A_656 = tpu.memref_slice %dma_wait3A_653[%dma_wait3A_654, %dma_wait3A_655] : memref<256x128xf32, #tpu.memory_space<vmem_shared>> -> memref<128x128xf32, #tpu.memory_space<vmem_shared>>
    tpu.wait_dma2 semaphore(%arg13 : memref<!tpu.dma_semaphore, #tpu.memory_space<semaphore_mem>>) src(%dma_wait3A_656 : memref<128x128xf32, #tpu.memory_space<vmem_shared>>) dst(%dma_wait3A_649 : memref<128x128xf32, #tpu.memory_space<vmem>>)
    %dma_start3A_657 = arith.constant 2 : i32
    %dma_start3A_658 = arith.constant 0 : i32
    %dma_start3A_659 = arith.constant 0 : i32
    %dma_start3A_660 = tpu.memref_slice %arg8[%dma_start3A_657, %dma_start3A_658, %dma_start3A_659] : memref<5x128x128xf32, #tpu.memory_space<vmem>> -> memref<1x128x128xf32, #tpu.memory_space<vmem>>
    %dma_start3A_661 = tpu.memref_squeeze %dma_start3A_660 : memref<1x128x128xf32, #tpu.memory_space<vmem>> -> memref<128x128xf32, #tpu.memory_space<vmem>>
    %dma_start3A_662 = arith.constant 896 : i32
    %dma_start3A_663 = tpu.memref_slice %arg6[%dma_start3A_662] : memref<1024xi32, #tpu.memory_space<vmem>> -> memref<128xi32, #tpu.memory_space<vmem>>
    %dma_start3A_664 = arith.constant 0 : i32
    %dma_start3A_665 = arith.constant 0 : i32
    %dma_start3A_666 = tpu.memref_slice %arg3[%dma_start3A_664, %dma_start3A_665] : memref<100000x128xf32, #tpu.memory_space<hbm>> -> memref<100000x128xf32, #tpu.memory_space<hbm>>
    tpu.enqueue_indirect_dma source(%dma_start3A_666 : memref<100000x128xf32, #tpu.memory_space<hbm>>) target(%dma_start3A_661 : memref<128x128xf32, #tpu.memory_space<vmem>>) offsets(%dma_start3A_663 : memref<128xi32, #tpu.memory_space<vmem>>) semaphore(%arg18 : memref<!tpu.dma_semaphore, #tpu.memory_space<semaphore_mem>>) {add = true}
    %dma_wait3A_667 = arith.constant 3 : i32
    %dma_wait3A_668 = arith.constant 0 : i32
    %dma_wait3A_669 = arith.constant 0 : i32
    %dma_wait3A_670 = tpu.memref_slice %arg8[%dma_wait3A_667, %dma_wait3A_668, %dma_wait3A_669] : memref<5x128x128xf32, #tpu.memory_space<vmem>> -> memref<1x128x128xf32, #tpu.memory_space<vmem>>
    %dma_wait3A_671 = tpu.memref_squeeze %dma_wait3A_670 : memref<1x128x128xf32, #tpu.memory_space<vmem>> -> memref<128x128xf32, #tpu.memory_space<vmem>>
    %dma_wait3A_672 = arith.constant 384 : i32
    %dma_wait3A_673 = tpu.memref_slice %arg6[%dma_wait3A_672] : memref<1024xi32, #tpu.memory_space<vmem>> -> memref<128xi32, #tpu.memory_space<vmem>>
    %dma_wait3A_674 = arith.constant 0 : i32
    %dma_wait3A_675 = arith.constant 0 : i32
    %dma_wait3A_676 = tpu.memref_slice %arg3[%dma_wait3A_674, %dma_wait3A_675] : memref<100000x128xf32, #tpu.memory_space<hbm>> -> memref<100000x128xf32, #tpu.memory_space<hbm>>
    tpu.wait_indirect_dma semaphore(%arg19 : memref<!tpu.dma_semaphore, #tpu.memory_space<semaphore_mem>>) src(%dma_wait3A_676 : memref<100000x128xf32, #tpu.memory_space<hbm>>) dst(%dma_wait3A_671 : memref<128x128xf32, #tpu.memory_space<vmem>>)
    %mul3A_677 = arith.constant 256 : i32
    %mul3A_678 = arith.muli %add3A, %mul3A_677 : i32
    %add3A_679 = arith.constant 128 : i32
    %add3A_680 = arith.addi %mul3A_678, %add3A_679 : i32
    %dma_start3A_681 = arith.constant 3 : i32
    %dma_start3A_682 = arith.constant 1 : i32
    %dma_start3A_683 = arith.constant 0 : i32
    %dma_start3A_684 = arith.constant 0 : i32
    %dma_start3A_685 = tpu.memref_slice %arg8[%dma_start3A_681, %dma_start3A_683, %dma_start3A_684] : memref<5x128x128xf32, #tpu.memory_space<vmem>> -> memref<1x128x128xf32, #tpu.memory_space<vmem>>
    %dma_start3A_686 = tpu.memref_squeeze %dma_start3A_685 : memref<1x128x128xf32, #tpu.memory_space<vmem>> -> memref<128x128xf32, #tpu.memory_space<vmem>>
    %dma_start3A_687 = arith.constant 0 : i32
    %dma_start3A_688 = arith.constant 0 : i32
    %dma_start3A_689 = tpu.memref_slice %arg5[%dma_start3A_682, %dma_start3A_687, %dma_start3A_688] : memref<4x8192x128xf32, #tpu.memory_space<hbm>> -> memref<1x8192x128xf32, #tpu.memory_space<hbm>>
    %dma_start3A_690 = tpu.memref_squeeze %dma_start3A_689 : memref<1x8192x128xf32, #tpu.memory_space<hbm>> -> memref<8192x128xf32, #tpu.memory_space<hbm>>
    %dma_start3A_691 = arith.constant 0 : i32
    %dma_start3A_692 = tpu.memref_slice %dma_start3A_690[%add3A_680, %dma_start3A_691] : memref<8192x128xf32, #tpu.memory_space<hbm>> -> memref<128x128xf32, #tpu.memory_space<hbm>>
    %dma_start3A_693 = arith.constant 0 : i32
    %dma_start3A_694 = arith.constant 0 : i32
    %dma_start3A_695 = tpu.memref_slice %arg5[%dma_start3A_682, %dma_start3A_693, %dma_start3A_694] : memref<4x8192x128xf32, #tpu.memory_space<hbm>> -> memref<1x8192x128xf32, #tpu.memory_space<hbm>>
    %dma_start3A_696 = tpu.memref_squeeze %dma_start3A_695 : memref<1x8192x128xf32, #tpu.memory_space<hbm>> -> memref<8192x128xf32, #tpu.memory_space<hbm>>
    %dma_start3A_697 = arith.constant 0 : i32
    %dma_start3A_698 = tpu.memref_slice %dma_start3A_696[%add3A_680, %dma_start3A_697] : memref<8192x128xf32, #tpu.memory_space<hbm>> -> memref<128x128xf32, #tpu.memory_space<hbm>>
    %dma_start3A_699 = arith.constant 0 : i32
    %dma_start3A_700 = arith.constant 0 : i32
    %dma_start3A_701 = tpu.memref_slice %arg8[%dma_start3A_681, %dma_start3A_699, %dma_start3A_700] : memref<5x128x128xf32, #tpu.memory_space<vmem>> -> memref<1x128x128xf32, #tpu.memory_space<vmem>>
    %dma_start3A_702 = tpu.memref_squeeze %dma_start3A_701 : memref<1x128x128xf32, #tpu.memory_space<vmem>> -> memref<128x128xf32, #tpu.memory_space<vmem>>
    tpu.enqueue_dma source(%dma_start3A_702 : memref<128x128xf32, #tpu.memory_space<vmem>>) target(%dma_start3A_698 : memref<128x128xf32, #tpu.memory_space<hbm>>) target_semaphore(%arg24 : memref<!tpu.dma_semaphore, #tpu.memory_space<semaphore_mem>>)
    %dma_wait3A_703 = arith.constant 4 : i32
    %dma_wait3A_704 = arith.constant 0 : i32
    %dma_wait3A_705 = arith.constant 0 : i32
    %dma_wait3A_706 = tpu.memref_slice %arg8[%dma_wait3A_703, %dma_wait3A_704, %dma_wait3A_705] : memref<5x128x128xf32, #tpu.memory_space<vmem>> -> memref<1x128x128xf32, #tpu.memory_space<vmem>>
    %dma_wait3A_707 = tpu.memref_squeeze %dma_wait3A_706 : memref<1x128x128xf32, #tpu.memory_space<vmem>> -> memref<128x128xf32, #tpu.memory_space<vmem>>
    %dma_wait3A_708 = arith.constant 512 : i32
    %dma_wait3A_709 = tpu.memref_slice %arg6[%dma_wait3A_708] : memref<1024xi32, #tpu.memory_space<vmem>> -> memref<128xi32, #tpu.memory_space<vmem>>
    %dma_wait3A_710 = arith.constant 0 : i32
    %dma_wait3A_711 = arith.constant 0 : i32
    %dma_wait3A_712 = tpu.memref_slice %arg3[%dma_wait3A_710, %dma_wait3A_711] : memref<100000x128xf32, #tpu.memory_space<hbm>> -> memref<100000x128xf32, #tpu.memory_space<hbm>>
    tpu.wait_indirect_dma semaphore(%arg20 : memref<!tpu.dma_semaphore, #tpu.memory_space<semaphore_mem>>) src(%dma_wait3A_712 : memref<100000x128xf32, #tpu.memory_space<hbm>>) dst(%dma_wait3A_707 : memref<128x128xf32, #tpu.memory_space<vmem>>)
    %mul3A_713 = arith.constant 256 : i32
    %mul3A_714 = arith.muli %add3A, %mul3A_713 : i32
    %add3A_715 = arith.constant 0 : i32
    %add3A_716 = arith.addi %mul3A_714, %add3A_715 : i32
    %dma_start3A_717 = arith.constant 4 : i32
    %dma_start3A_718 = arith.constant 2 : i32
    %dma_start3A_719 = arith.constant 0 : i32
    %dma_start3A_720 = arith.constant 0 : i32
    %dma_start3A_721 = tpu.memref_slice %arg8[%dma_start3A_717, %dma_start3A_719, %dma_start3A_720] : memref<5x128x128xf32, #tpu.memory_space<vmem>> -> memref<1x128x128xf32, #tpu.memory_space<vmem>>
    %dma_start3A_722 = tpu.memref_squeeze %dma_start3A_721 : memref<1x128x128xf32, #tpu.memory_space<vmem>> -> memref<128x128xf32, #tpu.memory_space<vmem>>
    %dma_start3A_723 = arith.constant 0 : i32
    %dma_start3A_724 = arith.constant 0 : i32
    %dma_start3A_725 = tpu.memref_slice %arg5[%dma_start3A_718, %dma_start3A_723, %dma_start3A_724] : memref<4x8192x128xf32, #tpu.memory_space<hbm>> -> memref<1x8192x128xf32, #tpu.memory_space<hbm>>
    %dma_start3A_726 = tpu.memref_squeeze %dma_start3A_725 : memref<1x8192x128xf32, #tpu.memory_space<hbm>> -> memref<8192x128xf32, #tpu.memory_space<hbm>>
    %dma_start3A_727 = arith.constant 0 : i32
    %dma_start3A_728 = tpu.memref_slice %dma_start3A_726[%add3A_716, %dma_start3A_727] : memref<8192x128xf32, #tpu.memory_space<hbm>> -> memref<128x128xf32, #tpu.memory_space<hbm>>
    %dma_start3A_729 = arith.constant 0 : i32
    %dma_start3A_730 = arith.constant 0 : i32
    %dma_start3A_731 = tpu.memref_slice %arg5[%dma_start3A_718, %dma_start3A_729, %dma_start3A_730] : memref<4x8192x128xf32, #tpu.memory_space<hbm>> -> memref<1x8192x128xf32, #tpu.memory_space<hbm>>
    %dma_start3A_732 = tpu.memref_squeeze %dma_start3A_731 : memref<1x8192x128xf32, #tpu.memory_space<hbm>> -> memref<8192x128xf32, #tpu.memory_space<hbm>>
    %dma_start3A_733 = arith.constant 0 : i32
    %dma_start3A_734 = tpu.memref_slice %dma_start3A_732[%add3A_716, %dma_start3A_733] : memref<8192x128xf32, #tpu.memory_space<hbm>> -> memref<128x128xf32, #tpu.memory_space<hbm>>
    %dma_start3A_735 = arith.constant 0 : i32
    %dma_start3A_736 = arith.constant 0 : i32
    %dma_start3A_737 = tpu.memref_slice %arg8[%dma_start3A_717, %dma_start3A_735, %dma_start3A_736] : memref<5x128x128xf32, #tpu.memory_space<vmem>> -> memref<1x128x128xf32, #tpu.memory_space<vmem>>
    %dma_start3A_738 = tpu.memref_squeeze %dma_start3A_737 : memref<1x128x128xf32, #tpu.memory_space<vmem>> -> memref<128x128xf32, #tpu.memory_space<vmem>>
    tpu.enqueue_dma source(%dma_start3A_738 : memref<128x128xf32, #tpu.memory_space<vmem>>) target(%dma_start3A_734 : memref<128x128xf32, #tpu.memory_space<hbm>>) target_semaphore(%arg25 : memref<!tpu.dma_semaphore, #tpu.memory_space<semaphore_mem>>)
    %dma_wait3A_739 = arith.constant 0 : i32
    %dma_wait3A_740 = arith.constant 0 : i32
    %dma_wait3A_741 = arith.constant 0 : i32
    %dma_wait3A_742 = tpu.memref_slice %arg8[%dma_wait3A_739, %dma_wait3A_740, %dma_wait3A_741] : memref<5x128x128xf32, #tpu.memory_space<vmem>> -> memref<1x128x128xf32, #tpu.memory_space<vmem>>
    %dma_wait3A_743 = tpu.memref_squeeze %dma_wait3A_742 : memref<1x128x128xf32, #tpu.memory_space<vmem>> -> memref<128x128xf32, #tpu.memory_space<vmem>>
    %dma_wait3A_744 = arith.constant 640 : i32
    %dma_wait3A_745 = tpu.memref_slice %arg6[%dma_wait3A_744] : memref<1024xi32, #tpu.memory_space<vmem>> -> memref<128xi32, #tpu.memory_space<vmem>>
    %dma_wait3A_746 = arith.constant 0 : i32
    %dma_wait3A_747 = arith.constant 0 : i32
    %dma_wait3A_748 = tpu.memref_slice %arg3[%dma_wait3A_746, %dma_wait3A_747] : memref<100000x128xf32, #tpu.memory_space<hbm>> -> memref<100000x128xf32, #tpu.memory_space<hbm>>
    tpu.wait_indirect_dma semaphore(%arg16 : memref<!tpu.dma_semaphore, #tpu.memory_space<semaphore_mem>>) src(%dma_wait3A_748 : memref<100000x128xf32, #tpu.memory_space<hbm>>) dst(%dma_wait3A_743 : memref<128x128xf32, #tpu.memory_space<vmem>>)
    %mul3A_749 = arith.constant 256 : i32
    %mul3A_750 = arith.muli %add3A, %mul3A_749 : i32
    %add3A_751 = arith.constant 128 : i32
    %add3A_752 = arith.addi %mul3A_750, %add3A_751 : i32
    %dma_start3A_753 = arith.constant 0 : i32
    %dma_start3A_754 = arith.constant 2 : i32
    %dma_start3A_755 = arith.constant 0 : i32
    %dma_start3A_756 = arith.constant 0 : i32
    %dma_start3A_757 = tpu.memref_slice %arg8[%dma_start3A_753, %dma_start3A_755, %dma_start3A_756] : memref<5x128x128xf32, #tpu.memory_space<vmem>> -> memref<1x128x128xf32, #tpu.memory_space<vmem>>
    %dma_start3A_758 = tpu.memref_squeeze %dma_start3A_757 : memref<1x128x128xf32, #tpu.memory_space<vmem>> -> memref<128x128xf32, #tpu.memory_space<vmem>>
    %dma_start3A_759 = arith.constant 0 : i32
    %dma_start3A_760 = arith.constant 0 : i32
    %dma_start3A_761 = tpu.memref_slice %arg5[%dma_start3A_754, %dma_start3A_759, %dma_start3A_760] : memref<4x8192x128xf32, #tpu.memory_space<hbm>> -> memref<1x8192x128xf32, #tpu.memory_space<hbm>>
    %dma_start3A_762 = tpu.memref_squeeze %dma_start3A_761 : memref<1x8192x128xf32, #tpu.memory_space<hbm>> -> memref<8192x128xf32, #tpu.memory_space<hbm>>
    %dma_start3A_763 = arith.constant 0 : i32
    %dma_start3A_764 = tpu.memref_slice %dma_start3A_762[%add3A_752, %dma_start3A_763] : memref<8192x128xf32, #tpu.memory_space<hbm>> -> memref<128x128xf32, #tpu.memory_space<hbm>>
    %dma_start3A_765 = arith.constant 0 : i32
    %dma_start3A_766 = arith.constant 0 : i32
    %dma_start3A_767 = tpu.memref_slice %arg5[%dma_start3A_754, %dma_start3A_765, %dma_start3A_766] : memref<4x8192x128xf32, #tpu.memory_space<hbm>> -> memref<1x8192x128xf32, #tpu.memory_space<hbm>>
    %dma_start3A_768 = tpu.memref_squeeze %dma_start3A_767 : memref<1x8192x128xf32, #tpu.memory_space<hbm>> -> memref<8192x128xf32, #tpu.memory_space<hbm>>
    %dma_start3A_769 = arith.constant 0 : i32
    %dma_start3A_770 = tpu.memref_slice %dma_start3A_768[%add3A_752, %dma_start3A_769] : memref<8192x128xf32, #tpu.memory_space<hbm>> -> memref<128x128xf32, #tpu.memory_space<hbm>>
    %dma_start3A_771 = arith.constant 0 : i32
    %dma_start3A_772 = arith.constant 0 : i32
    %dma_start3A_773 = tpu.memref_slice %arg8[%dma_start3A_753, %dma_start3A_771, %dma_start3A_772] : memref<5x128x128xf32, #tpu.memory_space<vmem>> -> memref<1x128x128xf32, #tpu.memory_space<vmem>>
    %dma_start3A_774 = tpu.memref_squeeze %dma_start3A_773 : memref<1x128x128xf32, #tpu.memory_space<vmem>> -> memref<128x128xf32, #tpu.memory_space<vmem>>
    tpu.enqueue_dma source(%dma_start3A_774 : memref<128x128xf32, #tpu.memory_space<vmem>>) target(%dma_start3A_770 : memref<128x128xf32, #tpu.memory_space<hbm>>) target_semaphore(%arg21 : memref<!tpu.dma_semaphore, #tpu.memory_space<semaphore_mem>>)
    %dma_wait3A_775 = arith.constant 1 : i32
    %dma_wait3A_776 = arith.constant 0 : i32
    %dma_wait3A_777 = arith.constant 0 : i32
    %dma_wait3A_778 = tpu.memref_slice %arg8[%dma_wait3A_775, %dma_wait3A_776, %dma_wait3A_777] : memref<5x128x128xf32, #tpu.memory_space<vmem>> -> memref<1x128x128xf32, #tpu.memory_space<vmem>>
    %dma_wait3A_779 = tpu.memref_squeeze %dma_wait3A_778 : memref<1x128x128xf32, #tpu.memory_space<vmem>> -> memref<128x128xf32, #tpu.memory_space<vmem>>
    %dma_wait3A_780 = arith.constant 768 : i32
    %dma_wait3A_781 = tpu.memref_slice %arg6[%dma_wait3A_780] : memref<1024xi32, #tpu.memory_space<vmem>> -> memref<128xi32, #tpu.memory_space<vmem>>
    %dma_wait3A_782 = arith.constant 0 : i32
    %dma_wait3A_783 = arith.constant 0 : i32
    %dma_wait3A_784 = tpu.memref_slice %arg3[%dma_wait3A_782, %dma_wait3A_783] : memref<100000x128xf32, #tpu.memory_space<hbm>> -> memref<100000x128xf32, #tpu.memory_space<hbm>>
    tpu.wait_indirect_dma semaphore(%arg17 : memref<!tpu.dma_semaphore, #tpu.memory_space<semaphore_mem>>) src(%dma_wait3A_784 : memref<100000x128xf32, #tpu.memory_space<hbm>>) dst(%dma_wait3A_779 : memref<128x128xf32, #tpu.memory_space<vmem>>)
    %mul3A_785 = arith.constant 256 : i32
    %mul3A_786 = arith.muli %add3A, %mul3A_785 : i32
    %add3A_787 = arith.constant 0 : i32
    %add3A_788 = arith.addi %mul3A_786, %add3A_787 : i32
    %dma_start3A_789 = arith.constant 1 : i32
    %dma_start3A_790 = arith.constant 3 : i32
    %dma_start3A_791 = arith.constant 0 : i32
    %dma_start3A_792 = arith.constant 0 : i32
    %dma_start3A_793 = tpu.memref_slice %arg8[%dma_start3A_789, %dma_start3A_791, %dma_start3A_792] : memref<5x128x128xf32, #tpu.memory_space<vmem>> -> memref<1x128x128xf32, #tpu.memory_space<vmem>>
    %dma_start3A_794 = tpu.memref_squeeze %dma_start3A_793 : memref<1x128x128xf32, #tpu.memory_space<vmem>> -> memref<128x128xf32, #tpu.memory_space<vmem>>
    %dma_start3A_795 = arith.constant 0 : i32
    %dma_start3A_796 = arith.constant 0 : i32
    %dma_start3A_797 = tpu.memref_slice %arg5[%dma_start3A_790, %dma_start3A_795, %dma_start3A_796] : memref<4x8192x128xf32, #tpu.memory_space<hbm>> -> memref<1x8192x128xf32, #tpu.memory_space<hbm>>
    %dma_start3A_798 = tpu.memref_squeeze %dma_start3A_797 : memref<1x8192x128xf32, #tpu.memory_space<hbm>> -> memref<8192x128xf32, #tpu.memory_space<hbm>>
    %dma_start3A_799 = arith.constant 0 : i32
    %dma_start3A_800 = tpu.memref_slice %dma_start3A_798[%add3A_788, %dma_start3A_799] : memref<8192x128xf32, #tpu.memory_space<hbm>> -> memref<128x128xf32, #tpu.memory_space<hbm>>
    %dma_start3A_801 = arith.constant 0 : i32
    %dma_start3A_802 = arith.constant 0 : i32
    %dma_start3A_803 = tpu.memref_slice %arg5[%dma_start3A_790, %dma_start3A_801, %dma_start3A_802] : memref<4x8192x128xf32, #tpu.memory_space<hbm>> -> memref<1x8192x128xf32, #tpu.memory_space<hbm>>
    %dma_start3A_804 = tpu.memref_squeeze %dma_start3A_803 : memref<1x8192x128xf32, #tpu.memory_space<hbm>> -> memref<8192x128xf32, #tpu.memory_space<hbm>>
    %dma_start3A_805 = arith.constant 0 : i32
    %dma_start3A_806 = tpu.memref_slice %dma_start3A_804[%add3A_788, %dma_start3A_805] : memref<8192x128xf32, #tpu.memory_space<hbm>> -> memref<128x128xf32, #tpu.memory_space<hbm>>
    %dma_start3A_807 = arith.constant 0 : i32
    %dma_start3A_808 = arith.constant 0 : i32
    %dma_start3A_809 = tpu.memref_slice %arg8[%dma_start3A_789, %dma_start3A_807, %dma_start3A_808] : memref<5x128x128xf32, #tpu.memory_space<vmem>> -> memref<1x128x128xf32, #tpu.memory_space<vmem>>
    %dma_start3A_810 = tpu.memref_squeeze %dma_start3A_809 : memref<1x128x128xf32, #tpu.memory_space<vmem>> -> memref<128x128xf32, #tpu.memory_space<vmem>>
    tpu.enqueue_dma source(%dma_start3A_810 : memref<128x128xf32, #tpu.memory_space<vmem>>) target(%dma_start3A_806 : memref<128x128xf32, #tpu.memory_space<hbm>>) target_semaphore(%arg22 : memref<!tpu.dma_semaphore, #tpu.memory_space<semaphore_mem>>)
    %dma_wait3A_811 = arith.constant 2 : i32
    %dma_wait3A_812 = arith.constant 0 : i32
    %dma_wait3A_813 = arith.constant 0 : i32
    %dma_wait3A_814 = tpu.memref_slice %arg8[%dma_wait3A_811, %dma_wait3A_812, %dma_wait3A_813] : memref<5x128x128xf32, #tpu.memory_space<vmem>> -> memref<1x128x128xf32, #tpu.memory_space<vmem>>
    %dma_wait3A_815 = tpu.memref_squeeze %dma_wait3A_814 : memref<1x128x128xf32, #tpu.memory_space<vmem>> -> memref<128x128xf32, #tpu.memory_space<vmem>>
    %dma_wait3A_816 = arith.constant 896 : i32
    %dma_wait3A_817 = tpu.memref_slice %arg6[%dma_wait3A_816] : memref<1024xi32, #tpu.memory_space<vmem>> -> memref<128xi32, #tpu.memory_space<vmem>>
    %dma_wait3A_818 = arith.constant 0 : i32
    %dma_wait3A_819 = arith.constant 0 : i32
    %dma_wait3A_820 = tpu.memref_slice %arg3[%dma_wait3A_818, %dma_wait3A_819] : memref<100000x128xf32, #tpu.memory_space<hbm>> -> memref<100000x128xf32, #tpu.memory_space<hbm>>
    tpu.wait_indirect_dma semaphore(%arg18 : memref<!tpu.dma_semaphore, #tpu.memory_space<semaphore_mem>>) src(%dma_wait3A_820 : memref<100000x128xf32, #tpu.memory_space<hbm>>) dst(%dma_wait3A_815 : memref<128x128xf32, #tpu.memory_space<vmem>>)
    %mul3A_821 = arith.constant 256 : i32
    %mul3A_822 = arith.muli %add3A, %mul3A_821 : i32
    %add3A_823 = arith.constant 128 : i32
    %add3A_824 = arith.addi %mul3A_822, %add3A_823 : i32
    %dma_start3A_825 = arith.constant 2 : i32
    %dma_start3A_826 = arith.constant 3 : i32
    %dma_start3A_827 = arith.constant 0 : i32
    %dma_start3A_828 = arith.constant 0 : i32
    %dma_start3A_829 = tpu.memref_slice %arg8[%dma_start3A_825, %dma_start3A_827, %dma_start3A_828] : memref<5x128x128xf32, #tpu.memory_space<vmem>> -> memref<1x128x128xf32, #tpu.memory_space<vmem>>
    %dma_start3A_830 = tpu.memref_squeeze %dma_start3A_829 : memref<1x128x128xf32, #tpu.memory_space<vmem>> -> memref<128x128xf32, #tpu.memory_space<vmem>>
    %dma_start3A_831 = arith.constant 0 : i32
    %dma_start3A_832 = arith.constant 0 : i32
    %dma_start3A_833 = tpu.memref_slice %arg5[%dma_start3A_826, %dma_start3A_831, %dma_start3A_832] : memref<4x8192x128xf32, #tpu.memory_space<hbm>> -> memref<1x8192x128xf32, #tpu.memory_space<hbm>>
    %dma_start3A_834 = tpu.memref_squeeze %dma_start3A_833 : memref<1x8192x128xf32, #tpu.memory_space<hbm>> -> memref<8192x128xf32, #tpu.memory_space<hbm>>
    %dma_start3A_835 = arith.constant 0 : i32
    %dma_start3A_836 = tpu.memref_slice %dma_start3A_834[%add3A_824, %dma_start3A_835] : memref<8192x128xf32, #tpu.memory_space<hbm>> -> memref<128x128xf32, #tpu.memory_space<hbm>>
    %dma_start3A_837 = arith.constant 0 : i32
    %dma_start3A_838 = arith.constant 0 : i32
    %dma_start3A_839 = tpu.memref_slice %arg5[%dma_start3A_826, %dma_start3A_837, %dma_start3A_838] : memref<4x8192x128xf32, #tpu.memory_space<hbm>> -> memref<1x8192x128xf32, #tpu.memory_space<hbm>>
    %dma_start3A_840 = tpu.memref_squeeze %dma_start3A_839 : memref<1x8192x128xf32, #tpu.memory_space<hbm>> -> memref<8192x128xf32, #tpu.memory_space<hbm>>
    %dma_start3A_841 = arith.constant 0 : i32
    %dma_start3A_842 = tpu.memref_slice %dma_start3A_840[%add3A_824, %dma_start3A_841] : memref<8192x128xf32, #tpu.memory_space<hbm>> -> memref<128x128xf32, #tpu.memory_space<hbm>>
    %dma_start3A_843 = arith.constant 0 : i32
    %dma_start3A_844 = arith.constant 0 : i32
    %dma_start3A_845 = tpu.memref_slice %arg8[%dma_start3A_825, %dma_start3A_843, %dma_start3A_844] : memref<5x128x128xf32, #tpu.memory_space<vmem>> -> memref<1x128x128xf32, #tpu.memory_space<vmem>>
    %dma_start3A_846 = tpu.memref_squeeze %dma_start3A_845 : memref<1x128x128xf32, #tpu.memory_space<vmem>> -> memref<128x128xf32, #tpu.memory_space<vmem>>
    tpu.enqueue_dma source(%dma_start3A_846 : memref<128x128xf32, #tpu.memory_space<vmem>>) target(%dma_start3A_842 : memref<128x128xf32, #tpu.memory_space<hbm>>) target_semaphore(%arg23 : memref<!tpu.dma_semaphore, #tpu.memory_space<semaphore_mem>>)
    %dma_wait3A_847 = arith.constant 0 : i32
    %dma_wait3A_848 = arith.constant 2 : i32
    %dma_wait3A_849 = arith.constant 0 : i32
    %dma_wait3A_850 = arith.constant 0 : i32
    %dma_wait3A_851 = tpu.memref_slice %arg8[%dma_wait3A_847, %dma_wait3A_849, %dma_wait3A_850] : memref<5x128x128xf32, #tpu.memory_space<vmem>> -> memref<1x128x128xf32, #tpu.memory_space<vmem>>
    %dma_wait3A_852 = tpu.memref_squeeze %dma_wait3A_851 : memref<1x128x128xf32, #tpu.memory_space<vmem>> -> memref<128x128xf32, #tpu.memory_space<vmem>>
    %dma_wait3A_853 = arith.constant 0 : i32
    %dma_wait3A_854 = arith.constant 0 : i32
    %dma_wait3A_855 = tpu.memref_slice %arg5[%dma_wait3A_848, %dma_wait3A_853, %dma_wait3A_854] : memref<4x8192x128xf32, #tpu.memory_space<hbm>> -> memref<1x8192x128xf32, #tpu.memory_space<hbm>>
    %dma_wait3A_856 = tpu.memref_squeeze %dma_wait3A_855 : memref<1x8192x128xf32, #tpu.memory_space<hbm>> -> memref<8192x128xf32, #tpu.memory_space<hbm>>
    %dma_wait3A_857 = arith.constant 0 : i32
    %dma_wait3A_858 = tpu.memref_slice %dma_wait3A_856[%add3A_752, %dma_wait3A_857] : memref<8192x128xf32, #tpu.memory_space<hbm>> -> memref<128x128xf32, #tpu.memory_space<hbm>>
    %dma_wait3A_859 = arith.constant 0 : i32
    %dma_wait3A_860 = arith.constant 0 : i32
    %dma_wait3A_861 = tpu.memref_slice %arg5[%dma_wait3A_848, %dma_wait3A_859, %dma_wait3A_860] : memref<4x8192x128xf32, #tpu.memory_space<hbm>> -> memref<1x8192x128xf32, #tpu.memory_space<hbm>>
    %dma_wait3A_862 = tpu.memref_squeeze %dma_wait3A_861 : memref<1x8192x128xf32, #tpu.memory_space<hbm>> -> memref<8192x128xf32, #tpu.memory_space<hbm>>
    %dma_wait3A_863 = arith.constant 0 : i32
    %dma_wait3A_864 = tpu.memref_slice %dma_wait3A_862[%add3A_752, %dma_wait3A_863] : memref<8192x128xf32, #tpu.memory_space<hbm>> -> memref<128x128xf32, #tpu.memory_space<hbm>>
    %dma_wait3A_865 = arith.constant 0 : i32
    %dma_wait3A_866 = arith.constant 0 : i32
    %dma_wait3A_867 = tpu.memref_slice %arg8[%dma_wait3A_847, %dma_wait3A_865, %dma_wait3A_866] : memref<5x128x128xf32, #tpu.memory_space<vmem>> -> memref<1x128x128xf32, #tpu.memory_space<vmem>>
    %dma_wait3A_868 = tpu.memref_squeeze %dma_wait3A_867 : memref<1x128x128xf32, #tpu.memory_space<vmem>> -> memref<128x128xf32, #tpu.memory_space<vmem>>
    tpu.wait_dma2 semaphore(%arg21 : memref<!tpu.dma_semaphore, #tpu.memory_space<semaphore_mem>>) src(%dma_wait3A_868 : memref<128x128xf32, #tpu.memory_space<vmem>>) dst(%dma_wait3A_864 : memref<128x128xf32, #tpu.memory_space<hbm>>)
    %dma_wait3A_869 = arith.constant 1 : i32
    %dma_wait3A_870 = arith.constant 3 : i32
    %dma_wait3A_871 = arith.constant 0 : i32
    %dma_wait3A_872 = arith.constant 0 : i32
    %dma_wait3A_873 = tpu.memref_slice %arg8[%dma_wait3A_869, %dma_wait3A_871, %dma_wait3A_872] : memref<5x128x128xf32, #tpu.memory_space<vmem>> -> memref<1x128x128xf32, #tpu.memory_space<vmem>>
    %dma_wait3A_874 = tpu.memref_squeeze %dma_wait3A_873 : memref<1x128x128xf32, #tpu.memory_space<vmem>> -> memref<128x128xf32, #tpu.memory_space<vmem>>
    %dma_wait3A_875 = arith.constant 0 : i32
    %dma_wait3A_876 = arith.constant 0 : i32
    %dma_wait3A_877 = tpu.memref_slice %arg5[%dma_wait3A_870, %dma_wait3A_875, %dma_wait3A_876] : memref<4x8192x128xf32, #tpu.memory_space<hbm>> -> memref<1x8192x128xf32, #tpu.memory_space<hbm>>
    %dma_wait3A_878 = tpu.memref_squeeze %dma_wait3A_877 : memref<1x8192x128xf32, #tpu.memory_space<hbm>> -> memref<8192x128xf32, #tpu.memory_space<hbm>>
    %dma_wait3A_879 = arith.constant 0 : i32
    %dma_wait3A_880 = tpu.memref_slice %dma_wait3A_878[%add3A_788, %dma_wait3A_879] : memref<8192x128xf32, #tpu.memory_space<hbm>> -> memref<128x128xf32, #tpu.memory_space<hbm>>
    %dma_wait3A_881 = arith.constant 0 : i32
    %dma_wait3A_882 = arith.constant 0 : i32
    %dma_wait3A_883 = tpu.memref_slice %arg5[%dma_wait3A_870, %dma_wait3A_881, %dma_wait3A_882] : memref<4x8192x128xf32, #tpu.memory_space<hbm>> -> memref<1x8192x128xf32, #tpu.memory_space<hbm>>
    %dma_wait3A_884 = tpu.memref_squeeze %dma_wait3A_883 : memref<1x8192x128xf32, #tpu.memory_space<hbm>> -> memref<8192x128xf32, #tpu.memory_space<hbm>>
    %dma_wait3A_885 = arith.constant 0 : i32
    %dma_wait3A_886 = tpu.memref_slice %dma_wait3A_884[%add3A_788, %dma_wait3A_885] : memref<8192x128xf32, #tpu.memory_space<hbm>> -> memref<128x128xf32, #tpu.memory_space<hbm>>
    %dma_wait3A_887 = arith.constant 0 : i32
    %dma_wait3A_888 = arith.constant 0 : i32
    %dma_wait3A_889 = tpu.memref_slice %arg8[%dma_wait3A_869, %dma_wait3A_887, %dma_wait3A_888] : memref<5x128x128xf32, #tpu.memory_space<vmem>> -> memref<1x128x128xf32, #tpu.memory_space<vmem>>
    %dma_wait3A_890 = tpu.memref_squeeze %dma_wait3A_889 : memref<1x128x128xf32, #tpu.memory_space<vmem>> -> memref<128x128xf32, #tpu.memory_space<vmem>>
    tpu.wait_dma2 semaphore(%arg22 : memref<!tpu.dma_semaphore, #tpu.memory_space<semaphore_mem>>) src(%dma_wait3A_890 : memref<128x128xf32, #tpu.memory_space<vmem>>) dst(%dma_wait3A_886 : memref<128x128xf32, #tpu.memory_space<hbm>>)
    %dma_wait3A_891 = arith.constant 2 : i32
    %dma_wait3A_892 = arith.constant 3 : i32
    %dma_wait3A_893 = arith.constant 0 : i32
    %dma_wait3A_894 = arith.constant 0 : i32
    %dma_wait3A_895 = tpu.memref_slice %arg8[%dma_wait3A_891, %dma_wait3A_893, %dma_wait3A_894] : memref<5x128x128xf32, #tpu.memory_space<vmem>> -> memref<1x128x128xf32, #tpu.memory_space<vmem>>
    %dma_wait3A_896 = tpu.memref_squeeze %dma_wait3A_895 : memref<1x128x128xf32, #tpu.memory_space<vmem>> -> memref<128x128xf32, #tpu.memory_space<vmem>>
    %dma_wait3A_897 = arith.constant 0 : i32
    %dma_wait3A_898 = arith.constant 0 : i32
    %dma_wait3A_899 = tpu.memref_slice %arg5[%dma_wait3A_892, %dma_wait3A_897, %dma_wait3A_898] : memref<4x8192x128xf32, #tpu.memory_space<hbm>> -> memref<1x8192x128xf32, #tpu.memory_space<hbm>>
    %dma_wait3A_900 = tpu.memref_squeeze %dma_wait3A_899 : memref<1x8192x128xf32, #tpu.memory_space<hbm>> -> memref<8192x128xf32, #tpu.memory_space<hbm>>
    %dma_wait3A_901 = arith.constant 0 : i32
    %dma_wait3A_902 = tpu.memref_slice %dma_wait3A_900[%add3A_824, %dma_wait3A_901] : memref<8192x128xf32, #tpu.memory_space<hbm>> -> memref<128x128xf32, #tpu.memory_space<hbm>>
    %dma_wait3A_903 = arith.constant 0 : i32
    %dma_wait3A_904 = arith.constant 0 : i32
    %dma_wait3A_905 = tpu.memref_slice %arg5[%dma_wait3A_892, %dma_wait3A_903, %dma_wait3A_904] : memref<4x8192x128xf32, #tpu.memory_space<hbm>> -> memref<1x8192x128xf32, #tpu.memory_space<hbm>>
    %dma_wait3A_906 = tpu.memref_squeeze %dma_wait3A_905 : memref<1x8192x128xf32, #tpu.memory_space<hbm>> -> memref<8192x128xf32, #tpu.memory_space<hbm>>
    %dma_wait3A_907 = arith.constant 0 : i32
    %dma_wait3A_908 = tpu.memref_slice %dma_wait3A_906[%add3A_824, %dma_wait3A_907] : memref<8192x128xf32, #tpu.memory_space<hbm>> -> memref<128x128xf32, #tpu.memory_space<hbm>>
    %dma_wait3A_909 = arith.constant 0 : i32
    %dma_wait3A_910 = arith.constant 0 : i32
    %dma_wait3A_911 = tpu.memref_slice %arg8[%dma_wait3A_891, %dma_wait3A_909, %dma_wait3A_910] : memref<5x128x128xf32, #tpu.memory_space<vmem>> -> memref<1x128x128xf32, #tpu.memory_space<vmem>>
    %dma_wait3A_912 = tpu.memref_squeeze %dma_wait3A_911 : memref<1x128x128xf32, #tpu.memory_space<vmem>> -> memref<128x128xf32, #tpu.memory_space<vmem>>
    tpu.wait_dma2 semaphore(%arg23 : memref<!tpu.dma_semaphore, #tpu.memory_space<semaphore_mem>>) src(%dma_wait3A_912 : memref<128x128xf32, #tpu.memory_space<vmem>>) dst(%dma_wait3A_908 : memref<128x128xf32, #tpu.memory_space<hbm>>)
    %dma_wait3A_913 = arith.constant 3 : i32
    %dma_wait3A_914 = arith.constant 1 : i32
    %dma_wait3A_915 = arith.constant 0 : i32
    %dma_wait3A_916 = arith.constant 0 : i32
    %dma_wait3A_917 = tpu.memref_slice %arg8[%dma_wait3A_913, %dma_wait3A_915, %dma_wait3A_916] : memref<5x128x128xf32, #tpu.memory_space<vmem>> -> memref<1x128x128xf32, #tpu.memory_space<vmem>>
    %dma_wait3A_918 = tpu.memref_squeeze %dma_wait3A_917 : memref<1x128x128xf32, #tpu.memory_space<vmem>> -> memref<128x128xf32, #tpu.memory_space<vmem>>
    %dma_wait3A_919 = arith.constant 0 : i32
    %dma_wait3A_920 = arith.constant 0 : i32
    %dma_wait3A_921 = tpu.memref_slice %arg5[%dma_wait3A_914, %dma_wait3A_919, %dma_wait3A_920] : memref<4x8192x128xf32, #tpu.memory_space<hbm>> -> memref<1x8192x128xf32, #tpu.memory_space<hbm>>
    %dma_wait3A_922 = tpu.memref_squeeze %dma_wait3A_921 : memref<1x8192x128xf32, #tpu.memory_space<hbm>> -> memref<8192x128xf32, #tpu.memory_space<hbm>>
    %dma_wait3A_923 = arith.constant 0 : i32
    %dma_wait3A_924 = tpu.memref_slice %dma_wait3A_922[%add3A_680, %dma_wait3A_923] : memref<8192x128xf32, #tpu.memory_space<hbm>> -> memref<128x128xf32, #tpu.memory_space<hbm>>
    %dma_wait3A_925 = arith.constant 0 : i32
    %dma_wait3A_926 = arith.constant 0 : i32
    %dma_wait3A_927 = tpu.memref_slice %arg5[%dma_wait3A_914, %dma_wait3A_925, %dma_wait3A_926] : memref<4x8192x128xf32, #tpu.memory_space<hbm>> -> memref<1x8192x128xf32, #tpu.memory_space<hbm>>
    %dma_wait3A_928 = tpu.memref_squeeze %dma_wait3A_927 : memref<1x8192x128xf32, #tpu.memory_space<hbm>> -> memref<8192x128xf32, #tpu.memory_space<hbm>>
    %dma_wait3A_929 = arith.constant 0 : i32
    %dma_wait3A_930 = tpu.memref_slice %dma_wait3A_928[%add3A_680, %dma_wait3A_929] : memref<8192x128xf32, #tpu.memory_space<hbm>> -> memref<128x128xf32, #tpu.memory_space<hbm>>
    %dma_wait3A_931 = arith.constant 0 : i32
    %dma_wait3A_932 = arith.constant 0 : i32
    %dma_wait3A_933 = tpu.memref_slice %arg8[%dma_wait3A_913, %dma_wait3A_931, %dma_wait3A_932] : memref<5x128x128xf32, #tpu.memory_space<vmem>> -> memref<1x128x128xf32, #tpu.memory_space<vmem>>
    %dma_wait3A_934 = tpu.memref_squeeze %dma_wait3A_933 : memref<1x128x128xf32, #tpu.memory_space<vmem>> -> memref<128x128xf32, #tpu.memory_space<vmem>>
    tpu.wait_dma2 semaphore(%arg24 : memref<!tpu.dma_semaphore, #tpu.memory_space<semaphore_mem>>) src(%dma_wait3A_934 : memref<128x128xf32, #tpu.memory_space<vmem>>) dst(%dma_wait3A_930 : memref<128x128xf32, #tpu.memory_space<hbm>>)
    %dma_wait3A_935 = arith.constant 4 : i32
    %dma_wait3A_936 = arith.constant 2 : i32
    %dma_wait3A_937 = arith.constant 0 : i32
    %dma_wait3A_938 = arith.constant 0 : i32
    %dma_wait3A_939 = tpu.memref_slice %arg8[%dma_wait3A_935, %dma_wait3A_937, %dma_wait3A_938] : memref<5x128x128xf32, #tpu.memory_space<vmem>> -> memref<1x128x128xf32, #tpu.memory_space<vmem>>
    %dma_wait3A_940 = tpu.memref_squeeze %dma_wait3A_939 : memref<1x128x128xf32, #tpu.memory_space<vmem>> -> memref<128x128xf32, #tpu.memory_space<vmem>>
    %dma_wait3A_941 = arith.constant 0 : i32
    %dma_wait3A_942 = arith.constant 0 : i32
    %dma_wait3A_943 = tpu.memref_slice %arg5[%dma_wait3A_936, %dma_wait3A_941, %dma_wait3A_942] : memref<4x8192x128xf32, #tpu.memory_space<hbm>> -> memref<1x8192x128xf32, #tpu.memory_space<hbm>>
    %dma_wait3A_944 = tpu.memref_squeeze %dma_wait3A_943 : memref<1x8192x128xf32, #tpu.memory_space<hbm>> -> memref<8192x128xf32, #tpu.memory_space<hbm>>
    %dma_wait3A_945 = arith.constant 0 : i32
    %dma_wait3A_946 = tpu.memref_slice %dma_wait3A_944[%add3A_716, %dma_wait3A_945] : memref<8192x128xf32, #tpu.memory_space<hbm>> -> memref<128x128xf32, #tpu.memory_space<hbm>>
    %dma_wait3A_947 = arith.constant 0 : i32
    %dma_wait3A_948 = arith.constant 0 : i32
    %dma_wait3A_949 = tpu.memref_slice %arg5[%dma_wait3A_936, %dma_wait3A_947, %dma_wait3A_948] : memref<4x8192x128xf32, #tpu.memory_space<hbm>> -> memref<1x8192x128xf32, #tpu.memory_space<hbm>>
    %dma_wait3A_950 = tpu.memref_squeeze %dma_wait3A_949 : memref<1x8192x128xf32, #tpu.memory_space<hbm>> -> memref<8192x128xf32, #tpu.memory_space<hbm>>
    %dma_wait3A_951 = arith.constant 0 : i32
    %dma_wait3A_952 = tpu.memref_slice %dma_wait3A_950[%add3A_716, %dma_wait3A_951] : memref<8192x128xf32, #tpu.memory_space<hbm>> -> memref<128x128xf32, #tpu.memory_space<hbm>>
    %dma_wait3A_953 = arith.constant 0 : i32
    %dma_wait3A_954 = arith.constant 0 : i32
    %dma_wait3A_955 = tpu.memref_slice %arg8[%dma_wait3A_935, %dma_wait3A_953, %dma_wait3A_954] : memref<5x128x128xf32, #tpu.memory_space<vmem>> -> memref<1x128x128xf32, #tpu.memory_space<vmem>>
    %dma_wait3A_956 = tpu.memref_squeeze %dma_wait3A_955 : memref<1x128x128xf32, #tpu.memory_space<vmem>> -> memref<128x128xf32, #tpu.memory_space<vmem>>
    tpu.wait_dma2 semaphore(%arg25 : memref<!tpu.dma_semaphore, #tpu.memory_space<semaphore_mem>>) src(%dma_wait3A_956 : memref<128x128xf32, #tpu.memory_space<vmem>>) dst(%dma_wait3A_952 : memref<128x128xf32, #tpu.memory_space<hbm>>)
    return
  }
}

</mosaic_0001>

<sc_bundles>
// kernel: kernel.3.cloned.1.call-start
scs
__scs_entry_jumppad:
0x0: {  	(pc) =	sbr.rel $0x88, $3  }
0x1: {  	(tag) =	ssettag $0x0;
	lr =	simm.s32 $0x1  }
0x2: {  	[smem:$0x3F9E] =	sst lr;
	_ =	strace $0xD0000000  }
0x3: {  	_ = 	snop  }
0x4: {  	_ = 	snop  }
0x5: {  	_ = 	snop  }
0x6: {  	_ = 	snop  }
0x7: {  	_ = 	snop  }
__scs_overlays_trampoline_lowered:
0x8: {  	[smem:$0x3FAD] =	sst s0  }
0x9: {  	[smem:$0x3FAE] =	sst s1  }
0xa: {  	[smem:$0x3FAF] =	sst s2  }
0xb: {  	[smem:$0x3FB0] =	sst s3  }
0xc: {  	[smem:$0x3FB1] =	sst s4  }
0xd: {  	[smem:$0x3FB2] =	sst s5  }
0xe: {  	[smem:$0x3FB3] =	sst s6  }
0xf: {  	[smem:$0x3FB4] =	sst s7  }
0x10: {  	[smem:$0x3FB5] =	sst s8  }
0x11: {  	[smem:$0x3FB6] =	sst s9;
	s0 =	simm.s32 @!p0 $0x0  }
0x12: {  	s1 =	sld [smem:$0x3F9C];
	s0 =	simm.s32 @p0 $0x1  }
0x13: {  	[smem:$0x3FB7] =	sst s0;
	s0 =	simm.s32 @!p1 $0x0  }
0x14: {  	s2 =	sld [smem:$0x3F9B];
	s0 =	simm.s32 @p1 $0x1  }
0x15: {  	[smem:$0x3FB8] =	sst s0;
	s0 =	simm.s32 @!p2 $0x0  }
0x16: {  	s3 =	sld [smem:$0x3FDB];
	s0 =	simm.s32 @p2 $0x1  }
0x17: {  	s4 =	simm.s32 $0x1BF5;
	[smem:$0x3FBA] =	sst s0  }
0x18: {  	s0 =	sld [smem:$0x3F9D];
	_ =	swait.ge [sflag:s4], $0x0  }
0x19: {  	s7 =	sld [smem:$0x3F9E]  }
0x1a: {  	s8 =	sadd.s32 $0xFFFFE003, lr  }
0x1b: {  	s9 =	sadd.s32 $0xFFFFFEF7, lr;
	s5 =	simm.s32 $0xFFFFFFFF;
	p2 =	slt.u32 s8, $0xFFFFF086  }
0x1c: {  	p1 =	slt.u32 s9, $0xF7A;
	s5 =	simm.s32 @!p2 $0x0  }
0x1d: {  	s5 =	simm.s32 @p1 $0x1;
	p0 =	seq.s32 s7, s2  }
0x1e: {  	s7 =	smul.u32 @!p0 $0xF7A, s2;
	p2 =	seq.s32 @!p0 s5, $0x0  }
0x1f: {  	s9 =	smul.u32 $0xF7A, s1;
	s8 =	simm.s32 @!p0 $0x1BF5;
	p2 =	por !p2, p0  }
0x20: {  	[sflag:s8] =	ssyncset.s32 @!p0 $0xFFFFF086;
	s6 =	sadd.s32 @!p0 s3, s7;
	s7 =	simm.s32 @!p0 $0x108  }
0x21: {  	s3 =	sadd.s32 s3, s9;
	s6 =	sadd.s32 @!p0 $0x88, s6;
	s7 =	simm.s32 @p2 $0x1082  }
0x22: {  	[simem:s7], [sflag:s8] =	dma.local @!p0 [hbm:s6], $0xF7A  }
0x23: {  	s9 =	sor.u32 $0xD0000000, s2;
	s6 =	simm.s32 $0x108;
	_ =	swait.ge @!p0 [sflag:s8], $0x0  }
0x24: {  	s3 =	sadd.s32 $0x88, s3;
	s6 =	simm.s32 @!p1 $0x1082;
	[sflag:s4] =	ssyncset.s32 $0xFFFFF086  }
0x25: {  	[simem:s6], [sflag:s4] =	dma.local [hbm:s3], $0xF7A  }
0x26: {  	[smem:$0x3F9E] =	sst s1;
	(tag) =	ssettag s2;
	_ =	strace s9  }
0x27: {  	s1 =	sld [smem:$0x3FAE]  }
0x28: {  	s2 =	sld [smem:$0x3FAF]  }
0x29: {  	s4 =	sld [smem:$0x3FB1]  }
0x2a: {  	p0 =	seq.s32 s5, $0x0;
	s5 =	sld [smem:$0x3FB2]  }
0x2b: {  	s6 =	sld [smem:$0x3FB3]  }
0x2c: {  	s7 =	sld [smem:$0x3FB4]  }
0x2d: {  	s3 =	simm.s32 $0x108;
	s8 =	sld [smem:$0x3FB5]  }
0x2e: {  	s3 =	simm.s32 @!p0 $0x1082;
	s9 =	sld [smem:$0x3FB6]  }
0x2f: {  	lr =	sadd.s32 s0, s3;
	s0 =	sld [smem:$0x3FAD]  }
0x30: {  	s3 =	sld [smem:$0x3FB0]  }
0x31: {  	[smem:$0x3FB9] =	sst s10  }
0x32: {  	s10 =	sld [smem:$0x3FB7];
	_ =	sdelay $0x3  }
0x33: {  	p0 =	seq.s32 s10, $0x1;
	s10 =	sld [smem:$0x3FB9];
	_ =	sdelay $0x3  }
0x34: {  	[smem:$0x3FB9] =	sst s10  }
0x35: {  	s10 =	sld [smem:$0x3FB8];
	_ =	sdelay $0x3  }
0x36: {  	p1 =	seq.s32 s10, $0x1;
	s10 =	sld [smem:$0x3FB9];
	_ =	sdelay $0x3  }
0x37: {  	[smem:$0x3FB9] =	sst s10  }
0x38: {  	s10 =	sld [smem:$0x3FBA]  }
0x39: {  	_ = 	snop;
	(pc) =	sbr.ind lr, $3  }
0x3a: {  	_ = 	snop  }
0x3b: {  	_ = 	snop  }
0x3c: {  	p2 =	seq.s32 s10, $0x1;
	s10 =	sld [smem:$0x3FB9]  }
0x3d: {  	_ =	shalt  }
0x3e: {  	_ =	shalt  }
0x3f: {  	_ =	shalt  }
0x40: {  	_ =	shalt  }
0x41: {  	_ =	shalt  }
0x42: {  	_ =	shalt  }
0x43: {  	_ =	shalt  }
0x44: {  	_ =	shalt  }
0x45: {  	_ =	shalt  }
0x46: {  	_ =	shalt  }
0x47: {  	_ =	shalt  }
0x48: {  	_ =	shalt  }
0x49: {  	_ =	shalt  }
0x4a: {  	_ =	shalt  }
0x4b: {  	_ =	shalt  }
0x4c: {  	_ =	shalt  }
0x4d: {  	_ =	shalt  }
0x4e: {  	_ =	shalt  }
0x4f: {  	_ =	shalt  }
0x50: {  	_ =	shalt  }
0x51: {  	_ =	shalt  }
0x52: {  	_ =	shalt  }
0x53: {  	_ =	shalt  }
0x54: {  	_ =	shalt  }
0x55: {  	_ =	shalt  }
0x56: {  	_ =	shalt  }
0x57: {  	_ =	shalt  }
0x58: {  	_ =	shalt  }
0x59: {  	_ =	shalt  }
0x5a: {  	_ =	shalt  }
0x5b: {  	_ =	shalt  }
0x5c: {  	_ =	shalt  }
0x5d: {  	_ =	shalt  }
0x5e: {  	_ =	shalt  }
0x5f: {  	_ =	shalt  }
0x60: {  	_ =	shalt  }
0x61: {  	_ =	shalt  }
0x62: {  	_ =	shalt  }
0x63: {  	_ =	shalt  }
0x64: {  	_ =	shalt  }
0x65: {  	_ =	shalt  }
0x66: {  	_ =	shalt  }
0x67: {  	_ =	shalt  }
0x68: {  	_ =	shalt  }
0x69: {  	_ =	shalt  }
0x6a: {  	_ =	shalt  }
0x6b: {  	_ =	shalt  }
0x6c: {  	_ =	shalt  }
0x6d: {  	_ =	shalt  }
0x6e: {  	_ =	shalt  }
0x6f: {  	_ =	shalt  }
0x70: {  	_ =	shalt  }
0x71: {  	_ =	shalt  }
0x72: {  	_ =	shalt  }
0x73: {  	_ =	shalt  }
0x74: {  	_ =	shalt  }
0x75: {  	_ =	shalt  }
0x76: {  	_ =	shalt  }
0x77: {  	_ =	shalt  }
0x78: {  	_ =	shalt  }
0x79: {  	_ =	shalt  }
0x7a: {  	_ =	shalt  }
0x7b: {  	_ =	shalt  }
0x7c: {  	_ =	shalt  }
0x7d: {  	_ =	shalt  }
0x7e: {  	_ =	shalt  }
0x7f: {  	_ =	shalt  }
0x80: {  	_ =	shalt  }
0x81: {  	_ =	shalt  }
0x82: {  	_ =	shalt  }
0x83: {  	_ =	shalt  }
0x84: {  	_ =	shalt  }
0x85: {  	_ =	shalt  }
0x86: {  	_ =	shalt  }
0x87: {  	_ =	shalt  }
.Lfunc_end0:
.L_simem_size_0:
called_computation_lowered:
.L_overlay_start_0:
0x88: {  	s2 =	sld [smem:$0x3FD9]  }
0x89: {  	s3 =	sld [smem:$0x3FFE];
	_ =	sdelay $0x1  }
0x8a: {  	s1 =	srdreg.scid  }
0x8b: {  	s0 =	sand.u32 $0x1, s1  }
0x8c: {  	s18 =	sshll.u32 s0, $0xA;
	s2 =	sadd.s32 s3, s2  }
0x8d: {  	s2 =	sadd.s32 s2, s18  }
0x8e: {  	[smem:$0x3FC5] =	sst s2  }
0x8f: {  	_ = 	snop  }
0x90: {  	s2 =	sld [smem:$0x3FC9]  }
0x91: {  	s19 =	sld [smem:$0x3FC8]  }
0x92: {  	s4 =	sld [smem:$0x3FC7]  }
0x93: {  	s5 =	sld [smem:$0x3FD0];
	(tm) =	ssettm $0x1  }
0x94: {  	s6 =	sld [smem:$0x3FFB];
	_ =	sdelay $0x3  }
0x95: {  	_ =	strace s6  }
0x96: {  	s6 =	sld [smem:$0x3FFC];
	_ =	sdelay $0x3  }
0x97: {  	_ =	strace s6  }
0x98: {  	s6 =	sld [smem:$0x3FFD];
	_ =	sdelay $0x3  }
0x99: {  	_ =	strace s6  }
0x9a: {  	_ =	strace $0x8FFFFFFF  }
0x9b: {  	s20 =	sld [smem:$0x3FDB];
	_ =	sdelay $0x1  }
0x9c: {  	s7 =	simm.s32 $_scs_section_size  }
0x9d: {  	s8 =	simm.s32 $_size__tile_overlayer_lowered;
	s9 =	simm.s32 $_tile_overlayer_lowered  }
0x9e: {  	s23 =	simm.s32 $0x1BFF;
	s22 =	sshll.u32 s9, $0x1;
	s6 =	sadd.s32 s7, s20  }
0x9f: {  	s10 =	simm.s32 $0x0;
	s21 =	sshll.u32 s8, $0x1;
	s8 =	sadd.s32 s22, s6  }
0xa0: {  	[timem:s10], [sflag:s23] =	dma.local [hbm:s8], s21  }
0xa1: {  	_ =	swait.ge [sflag:s23], s21  }
0xa2: {  	s7 =	ssub.s32 $0x0, s21;
	[sflag:s23] =	ssyncset.done $0x0  }
0xa3: {  	[sflag:s23] =	ssyncadd.s32 s7;
	_ =	sdelay $0x1  }
0xa4: {  	s24 =	simm.s32 $0x1B8B  }
0xa5: {  	_ =	swait.ge [sflag:s24], $0x1  }
0xa6: {  	[sflag:s24] =	ssyncset.done $0x0  }
0xa7: {  	s25 =	simm.s32 $0x1B8E;
	[sflag:s24] =	ssyncadd.s32 $0xFFFFFFFF  }
0xa8: {  	s26 =	simm.s32 $execute0_lowered;
	[smem:$0x3FD2] =	sst s25  }
0xa9: {  	s7 =	sshll.u32 s26, $0x1;
	_ =	strace $0x80000046;
	[dreg:$0x1] =	wrdreg $0xFFFFFFFF  }
0xaa: {  	s28 =	simm.s32 $_size_execute0_lowered;
	s6 =	sadd.s32 s6, s7;
	[dreg:$0x0] =	wrdreg $0x0  }
0xab: {  	s7 =	sshll.u32 s28, $0x1;
	[dreg:$0x2] =	wrdreg s6  }
0xac: {  	[dreg:$0x3] =	wrdreg s7  }
0xad: {  	[dreg:$0x4] =	wrdreg $0xC0  }
0xae: {  	_ =	task [dreg:s10], $0x5FFFF  }
0xaf: {  	[dreg:$0x1] =	wrdreg $0xFFFFFFFF  }
0xb0: {  	[dreg:$0x0] =	wrdreg $0x60  }
0xb1: {  	[dreg:$0x2] =	wrdreg s2  }
0xb2: {  	[dreg:$0x3] =	wrdreg s19  }
0xb3: {  	[dreg:$0x4] =	wrdreg s4  }
0xb4: {  	[dreg:$0x5] =	wrdreg s5  }
0xb5: {  	[dreg:$0x6] =	wrdreg $0x4000  }
0xb6: {  	[dreg:$0x7] =	wrdreg $0x9  }
0xb7: {  	_ =	task.clear_ibuf [dreg:s10], $0x8FFFF;
	_ =	strace $0x90000046  }
0xb8: {  	s29 =	simm.s32 $0x9;
	_ =	strace $0x80000048  }
0xb9: {  	_ =	swait.ge [sflag:s29], $0x1  }
0xba: {  	[sflag:s29] =	ssyncadd.s32 $0xFFFFFFFF  }
0xbb: {  	_ =	strace $0x90000048  }
0xbc: {  	_ =	sfence  }
0xbd: {  	s30 =	sld [smem:$0x0];
	_ =	sdelay $0x2  }
0xbe: {  	s31 =	sshll.u32 s1, $0xD;
	s1 =	sshrl.u32 s1, $0x2  }
0xbf: {  	s3 =	sand.u32 $0x4000, s31;
	s1 =	sadd.s32 s1, s30  }
0xc0: {  	s0 =	sor.u32 s3, s0;
	s1 =	sshll.u32 s1, $0x11  }
0xc1: {  	s0 =	sor.u32 s1, s0  }
0xc2: {  	s0 =	sadd.s32 $0x8F2B, s0  }
0xc3: {  	[sflag:s0] =	ssyncadd.remote.s32 $0x1  }
0xc4: {  	_ =	sfence.sel $0xFFFF  }
0xc5: {  	[dreg:$0x0] =	wrdreg $0xFFFFFFFF;
	(pc) =	sbr.abs _section_cstart, $3  }
0xc6: {  	[dreg:$0x1] =	wrdreg $0xFFFFFFFF  }
0xc7: {  	_ =	task.clear_ibuf [dreg:s10], $0x2FFFF;
	_ =	strace $0x9FFFFFFF  }
0xc8: {  	(tm) =	ssettm $0x7FFFFFFF  }
0xc9: {  	_ =	shalt  }
tec
execute0_lowered:
.L_overlay_start_1:
0x0: {  	(tag) =	ssettag $0x1  }
0x1: {  	s0 =	rddreg [dreg:$0x0]  }
0x2: {  	s1 =	rddreg [dreg:$0x1]  }
0x3: {  	s2 =	srdreg.scid;
	s5 =	rddreg [dreg:$0x2]  }
0x4: {  	s4 =	stileid.u32;
	s8 =	rddreg [dreg:$0x3]  }
0x5: {  	s6 =	rddreg [dreg:$0x4];
	s25 =	sand.u32 $0x1, s2;
	s13 =	sshll.u32 s4, $0x9  }
0x6: {  	s16 =	sshll.u32 s4, $0x6;
	s17 =	sshll.u32 s4, $0xF;
	s3 =	sshll.u32 s25, $0x8  }
0x7: {  	s4 =	sadd.s32 s17, s6;
	s2 =	sor.u32 s3, s13;
	s3 =	simm.s32 $0x0  }
0x8: {  	s20 =	sshrl.u32 s4, $0x3;
	[smem:$0x7FF] =	sst s3  }
0x9: {  	s21 =	simm.s32 $0x180;
	_ =	strace $0x80000047;
	[dreg:$0xc] =	wrdreg s20  }
0xa: {  	s22 =	simm.s32 $0x280;
	[dreg:$0xd] =	wrdreg s21  }
0xb: {  	s26 =	simm.s32 $0x380;
	s31 =	sshll.u32 s2, $0x4;
	[dreg:$0xe] =	wrdreg s22  }
0xc: {  	s7 =	sshrl.u32 s2, $0x1;
	s18 =	sadd.s32 s8, s31;
	[dreg:$0xf] =	wrdreg s26  }
0xd: {  	s6 =	simm.s32 $0x80;
	s9 =	sadd.s32 s0, s7;
	[dreg:$0xa] =	wrdreg s18  }
0xe: {  	s7 =	simm.s32 $0x200;
	s0 =	sadd.s32 $0x10, s9;
	[dreg:$0x10] =	wrdreg s9  }
0xf: {  	[tilespmem:s3], [sflag:$0x1] =	stream.strided.gather [hbm4b:s9+s6], $0x100, s7, s6, $0x38;
	[tilespmem:$0x1C400] =	vst v63  }
0x10: {  	s14 =	sadd.s32 $0x20, s9;
	[dreg:$0x6] =	wrdreg s0  }
0x11: {  	s10 =	sor.u32 $0x800, s31;
	s15 =	sadd.s32 $0x30, s9;
	[dreg:$0x7] =	wrdreg s14  }
0x12: {  	s19 =	sadd.s32 s8, s10;
	[dreg:$0x8] =	wrdreg s15  }
0x13: {  	[dreg:$0xb] =	wrdreg s19  }
0x14: {  	s0 =	sor.u32 $0x1C02, s16;
	s14 =	rddreg [dreg:$0xc]  }
0x15: {  	[dreg:$0x9] =	wrdreg s0  }
0x16: {  	s23 =	rddreg [dreg:$0x7]  }
0x17: {  	s15 =	simm.s32 $0x100;
	s24 =	rddreg [dreg:$0x6]  }
0x18: {  	[tilespmem:s15], [sflag:$0x1] =	stream.strided.gather [hbm4b:s24+s6], $0x100, s7, s6, $0x38;
	[tilespmem:$0x1C400] =	vst v63  }
0x19: {  	s11 =	simm.s32 $0x8400;
	s13 =	rddreg [dreg:$0x8]  }
0x1a: {  	[tilespmem:s7], [sflag:$0x1] =	stream.strided.gather [hbm4b:s23+s6], $0x100, s7, s6, $0x38;
	[tilespmem:$0x1C400] =	vst v63  }
0x1b: {  	s9 =	sadd.s32 s5, s31;
	s16 =	simm.s32 $0x300;
	s12 =	rddreg [dreg:$0x9]  }
0x1c: {  	[tilespmem:s16], [sflag:$0x1] =	stream.strided.gather [hbm4b:s13+s6], $0x100, s7, s6, $0x38;
	[tilespmem:$0x1C400] =	vst v63  }
0x1d: {  	[spmem:s14], [sflag:s12] =	dma.local [hbm:s9], $0x1000  }
0x1e: {  	[tilespmem:s11], [sflag:$0x3] =	stream.linear.gather [hbm4b:s9+s3], $0x4000, $0x38;
	[tilespmem:$0x1C400] =	vst v63  }
0x1f: {  	s13 =	simm.s32 $0xC400;
	s12 =	sadd.s32 s5, s10  }
0x20: {  	[tilespmem:s13], [sflag:$0x4] =	stream.linear.gather [hbm4b:s12+s3], $0x4000, $0x38;
	[tilespmem:$0x1C400] =	vst v63  }
0x21: {  	s14 =	simm.s32 $0x10400  }
0x22: {  	[tilespmem:s14], [sflag:$0x5] =	stream.linear.gather [hbm4b:s9+s3], $0x4000, $0x38;
	[tilespmem:$0x1C400] =	vst v63  }
0x23: {  	s21 =	simm.s32 $0x14400  }
0x24: {  	[tilespmem:s21], [sflag:$0x6] =	stream.linear.gather [hbm4b:s12+s3], $0x4000, $0x38;
	[tilespmem:$0x1C400] =	vst v63  }
0x25: {  	s17 =	simm.s32 $0x1;
	s22 =	simm.s32 $0x18400  }
0x26: {  	[tilespmem:s22], [sflag:$0x7] =	stream.linear.gather [hbm4b:s9+s3], $0x4000, $0x38;
	[tilespmem:$0x1C400] =	vst v63  }
0x27: {  	_ =	swait.ge [sflag:s17], $0x100  }
0x28: {  	[sflag:s17] =	ssyncset.done $0x0  }
0x29: {  	[sflag:s17] =	ssyncadd.s32 $0xFFFFFF00  }
0x2a: {  	_ =	swait.ge [sflag:s17], $0x100  }
0x2b: {  	[sflag:s17] =	ssyncset.done $0x0  }
0x2c: {  	[sflag:s17] =	ssyncadd.s32 $0xFFFFFF00  }
0x2d: {  	_ =	swait.ge [sflag:s17], $0x100  }
0x2e: {  	[sflag:s17] =	ssyncset.done $0x0  }
0x2f: {  	[sflag:s17] =	ssyncadd.s32 $0xFFFFFF00  }
0x30: {  	_ =	swait.ge [sflag:s17], $0x100  }
0x31: {  	[sflag:s17] =	ssyncset.done $0x0  }
0x32: {  	s18 =	simm.s32 $0x3;
	[sflag:s17] =	ssyncadd.s32 $0xFFFFFF00  }
0x33: {  	_ =	swait.ge [sflag:s18], $0x4000  }
0x34: {  	[sflag:s18] =	ssyncset.done $0x0  }
0x35: {  	s19 =	simm.s32 $0x4;
	[sflag:s18] =	ssyncadd.s32 $0xFFFFC000  }
0x36: {  	[tilespmem:s11], [sflag:$0x8] =	stream.indirect.gather.add.f32 [hbm:s1], $0x80, s3, s6, $0xb8;
	[tilespmem:$0x1C400] =	vst v63  }
0x37: {  	_ =	swait.ge [sflag:s19], $0x4000  }
0x38: {  	[sflag:s19] =	ssyncset.done $0x0  }
0x39: {  	s20 =	simm.s32 $0x5;
	[sflag:s19] =	ssyncadd.s32 $0xFFFFC000  }
0x3a: {  	[tilespmem:s13], [sflag:$0x9] =	stream.indirect.gather.add.f32 [hbm:s1], $0x80, s6, s6, $0xb8;
	[tilespmem:$0x1C400] =	vst v63  }
0x3b: {  	_ =	swait.ge [sflag:s20], $0x4000  }
0x3c: {  	[sflag:s20] =	ssyncset.done $0x0  }
0x3d: {  	s5 =	simm.s32 $0x6;
	[sflag:s20] =	ssyncadd.s32 $0xFFFFC000  }
0x3e: {  	[tilespmem:s14], [sflag:$0xA] =	stream.indirect.gather.add.f32 [hbm:s1], $0x80, s15, s6, $0xb8;
	[tilespmem:$0x1C400] =	vst v63  }
0x3f: {  	_ =	swait.ge [sflag:s5], $0x4000  }
0x40: {  	[sflag:s5] =	ssyncset.done $0x0  }
0x41: {  	s24 =	simm.s32 $0x7;
	s23 =	rddreg [dreg:$0xd];
	[sflag:s5] =	ssyncadd.s32 $0xFFFFC000  }
0x42: {  	[tilespmem:s21], [sflag:$0xB] =	stream.indirect.gather.add.f32 [hbm:s1], $0x80, s23, s6, $0xb8;
	[tilespmem:$0x1C400] =	vst v63  }
0x43: {  	_ =	swait.ge [sflag:s24], $0x4000  }
0x44: {  	[sflag:s24] =	ssyncset.done $0x0  }
0x45: {  	s23 =	simm.s32 $0x8;
	[sflag:s24] =	ssyncadd.s32 $0xFFFFC000  }
0x46: {  	[tilespmem:s22], [sflag:$0xC] =	stream.indirect.gather.add.f32 [hbm:s1], $0x80, s7, s6, $0xb8;
	[tilespmem:$0x1C400] =	vst v63  }
0x47: {  	_ =	swait.ge [sflag:s23], $0x4000  }
0x48: {  	[sflag:s23] =	ssyncset.done $0x0  }
0x49: {  	s24 =	simm.s32 $0xD;
	s26 =	rddreg [dreg:$0xa];
	[sflag:s23] =	ssyncadd.s32 $0xFFFFC000  }
0x4a: {  	[hbm4b:s26+s3] =	stream.linear.scatter [tilespmem:s11], [sflag:$0xD], $0x4000, $0x38;
	[tilespmem:$0x1C400] =	vst v63  }
0x4b: {  	_ =	swait.ge [sflag:s24], $0x4000  }
0x4c: {  	[sflag:s24] =	ssyncset.done $0x0  }
0x4d: {  	s2 =	simm.s32 $0x2;
	[sflag:s24] =	ssyncadd.s32 $0xFFFFC000  }
0x4e: {  	_ =	swait.ge [sflag:s2], $0x1000  }
0x4f: {  	[sflag:s2] =	ssyncset.done $0x0  }
0x50: {  	s26 =	sadd.s32 $0x4000, s4;
	[sflag:s2] =	ssyncadd.s32 $0xFFFFF000  }
0x51: {  	[tilespmem:s11], [sflag:$0x3] =	stream.linear.gather [spmem:s26], $0x4000, $0x38;
	[tilespmem:$0x1C400] =	vst v63  }
0x52: {  	_ =	swait.ge [sflag:s18], $0x4000  }
0x53: {  	[sflag:s18] =	ssyncset.done $0x0  }
0x54: {  	s28 =	simm.s32 $0x9;
	s5 =	rddreg [dreg:$0xe];
	[sflag:s18] =	ssyncadd.s32 $0xFFFFC000  }
0x55: {  	[tilespmem:s11], [sflag:$0x8] =	stream.indirect.gather.add.f32 [hbm:s1], $0x80, s5, s6, $0xb8;
	[tilespmem:$0x1C400] =	vst v63  }
0x56: {  	_ =	swait.ge [sflag:s28], $0x4000  }
0x57: {  	[sflag:s28] =	ssyncset.done $0x0  }
0x58: {  	s29 =	simm.s32 $0xE;
	s15 =	rddreg [dreg:$0xb];
	[sflag:s28] =	ssyncadd.s32 $0xFFFFC000  }
0x59: {  	[hbm4b:s15+s3] =	stream.linear.scatter [tilespmem:s13], [sflag:$0xE], $0x4000, $0x38;
	[tilespmem:$0x1C400] =	vst v63  }
0x5a: {  	_ =	swait.ge [sflag:s29], $0x4000  }
0x5b: {  	[sflag:s29] =	ssyncset.done $0x0  }
0x5c: {  	[dreg:$0x11] =	wrdreg s4;
	[sflag:s29] =	ssyncadd.s32 $0xFFFFC000  }
0x5d: {  	[tilespmem:s13], [sflag:$0x4] =	stream.linear.gather [spmem:s4], $0x4000, $0x38;
	[tilespmem:$0x1C400] =	vst v63  }
0x5e: {  	_ =	swait.ge [sflag:s19], $0x4000  }
0x5f: {  	[sflag:s19] =	ssyncset.done $0x0  }
0x60: {  	s30 =	simm.s32 $0xA;
	[sflag:s19] =	ssyncadd.s32 $0xFFFFC000  }
0x61: {  	[tilespmem:s13], [sflag:$0x9] =	stream.indirect.gather.add.f32 [hbm:s1], $0x80, s16, s6, $0xb8;
	[tilespmem:$0x1C400] =	vst v63  }
0x62: {  	s16 =	sadd.s32 $0x20000, s8;
	_ =	swait.ge [sflag:s30], $0x4000  }
0x63: {  	s4 =	sadd.s32 s31, s16;
	[sflag:s30] =	ssyncset.done $0x0  }
0x64: {  	s2 =	simm.s32 $0xF;
	[dreg:$0x12] =	wrdreg s4;
	[sflag:s30] =	ssyncadd.s32 $0xFFFFC000  }
0x65: {  	[hbm4b:s4+s3] =	stream.linear.scatter [tilespmem:s14], [sflag:$0xF], $0x4000, $0x38;
	[tilespmem:$0x1C400] =	vst v63  }
0x66: {  	_ =	swait.ge [sflag:s2], $0x4000  }
0x67: {  	[sflag:s2] =	ssyncset.done $0x0  }
0x68: {  	[sflag:s2] =	ssyncadd.s32 $0xFFFFC000  }
0x69: {  	[tilespmem:s14], [sflag:$0x5] =	stream.linear.gather [spmem:s26], $0x4000, $0x38;
	[tilespmem:$0x1C400] =	vst v63  }
0x6a: {  	_ =	swait.ge [sflag:s20], $0x4000  }
0x6b: {  	[sflag:s20] =	ssyncset.done $0x0  }
0x6c: {  	s0 =	simm.s32 $0xB;
	s15 =	rddreg [dreg:$0xf];
	[sflag:s20] =	ssyncadd.s32 $0xFFFFC000  }
0x6d: {  	[tilespmem:s14], [sflag:$0xA] =	stream.indirect.gather.add.f32 [hbm:s1], $0x80, s15, s6, $0xb8;
	[tilespmem:$0x1C400] =	vst v63  }
0x6e: {  	_ =	swait.ge [sflag:s0], $0x4000  }
0x6f: {  	s16 =	sadd.s32 s10, s16;
	[sflag:s0] =	ssyncset.done $0x0  }
0x70: {  	s5 =	simm.s32 $0xC;
	[dreg:$0x13] =	wrdreg s16;
	[sflag:s0] =	ssyncadd.s32 $0xFFFFC000  }
0x71: {  	[hbm4b:s16+s3] =	stream.linear.scatter [tilespmem:s21], [sflag:$0x10], $0x4000, $0x38;
	[tilespmem:$0x1C400] =	vst v63  }
0x72: {  	s21 =	sadd.s32 $0x40000, s8;
	_ =	swait.ge [sflag:s5], $0x4000  }
0x73: {  	s16 =	sadd.s32 s31, s21;
	[sflag:s5] =	ssyncset.done $0x0  }
0x74: {  	[dreg:$0x14] =	wrdreg s16;
	[sflag:s5] =	ssyncadd.s32 $0xFFFFC000  }
0x75: {  	[hbm4b:s16+s3] =	stream.linear.scatter [tilespmem:s22], [sflag:$0x11], $0x4000, $0x38;
	[tilespmem:$0x1C400] =	vst v63  }
0x76: {  	_ =	swait.ge [sflag:s23], $0x4000  }
0x77: {  	s4 =	sadd.s32 s10, s21;
	[sflag:s23] =	ssyncset.done $0x0  }
0x78: {  	[dreg:$0x15] =	wrdreg s4;
	[sflag:s23] =	ssyncadd.s32 $0xFFFFC000  }
0x79: {  	[hbm4b:s4+s3] =	stream.linear.scatter [tilespmem:s11], [sflag:$0xD], $0x4000, $0x38;
	[tilespmem:$0x1C400] =	vst v63  }
0x7a: {  	s21 =	sadd.s32 $0x60000, s8;
	_ =	swait.ge [sflag:s28], $0x4000  }
0x7b: {  	s8 =	sadd.s32 s31, s21;
	[sflag:s28] =	ssyncset.done $0x0  }
0x7c: {  	[dreg:$0x16] =	wrdreg s8;
	[sflag:s28] =	ssyncadd.s32 $0xFFFFC000  }
0x7d: {  	[hbm4b:s8+s3] =	stream.linear.scatter [tilespmem:s13], [sflag:$0xE], $0x4000, $0x38;
	[tilespmem:$0x1C400] =	vst v63  }
0x7e: {  	_ =	swait.ge [sflag:s30], $0x4000  }
0x7f: {  	s4 =	sadd.s32 s10, s21;
	[sflag:s30] =	ssyncset.done $0x0  }
0x80: {  	[dreg:$0x17] =	wrdreg s4;
	[sflag:s30] =	ssyncadd.s32 $0xFFFFC000  }
0x81: {  	[hbm4b:s4+s3] =	stream.linear.scatter [tilespmem:s14], [sflag:$0xF], $0x4000, $0x38;
	[tilespmem:$0x1C400] =	vst v63  }
0x82: {  	_ =	swait.ge [sflag:s24], $0x4000  }
0x83: {  	[sflag:s24] =	ssyncset.done $0x0  }
0x84: {  	s22 =	ssub.s32 $0x2, s25;
	[sflag:s24] =	ssyncadd.s32 $0xFFFFC000  }
0x85: {  	s25 =	sshrl.u32 s22, $0x1;
	_ =	swait.ge [sflag:s29], $0x4000  }
0x86: {  	s10 =	ssub.s32 s22, s25;
	[sflag:s29] =	ssyncset.done $0x0  }
0x87: {  	s10 =	smax.u32 s10, $0x1;
	[sflag:s29] =	ssyncadd.s32 $0xFFFFC000  }
0x88: {  	p0 =	sne.s32 s10, $0x1;
	_ =	swait.ge [sflag:s2], $0x4000  }
.Ltmp0:
0x89: {  	[sflag:s2] =	ssyncset.done $0x0;
	(pc) =	sbr.rel @!p0 .LBB2_3-.Ltmp0, $4  }
0x8a: {  	s8 =	simm.s32 $0x10;
	[sflag:s2] =	ssyncadd.s32 $0xFFFFC000  }
0x8b: {  	_ =	swait.ge [sflag:s8], $0x4000  }
0x8c: {  	[sflag:s8] =	ssyncset.done $0x0  }
0x8d: {  	s31 =	sadd.s32 $0xFFFFFFFF, s10;
	s10 =	simm.s32 $0x11;
	[sflag:s8] =	ssyncadd.s32 $0xFFFFC000  }
0x8e: {  	s22 =	simm.s32 $0x100;
	s25 =	simm.s32 $0x300  }
.LBB2_2:
0x8f: {  	_ =	swait.ge [sflag:s10], $0x4000  }
0x90: {  	s4 =	rddreg [dreg:$0x7]  }
0x91: {  	[sflag:s10] =	ssyncset.done $0x0;
	s15 =	rddreg [dreg:$0x6]  }
0x92: {  	s16 =	rddreg [dreg:$0x10];
	[sflag:s10] =	ssyncadd.s32 $0xFFFFC000  }
0x93: {  	[tilespmem:s3], [sflag:$0x1] =	stream.strided.gather [hbm4b:s16+s6], $0x100, s7, s6, $0x38;
	[tilespmem:$0x1C400] =	vst v63  }
0x94: {  	s21 =	rddreg [dreg:$0x8]  }
0x95: {  	[tilespmem:s22], [sflag:$0x1] =	stream.strided.gather [hbm4b:s15+s6], $0x100, s7, s6, $0x38;
	[tilespmem:$0x1C400] =	vst v63  }
0x96: {  	s16 =	rddreg [dreg:$0x9]  }
0x97: {  	[tilespmem:s7], [sflag:$0x1] =	stream.strided.gather [hbm4b:s4+s6], $0x100, s7, s6, $0x38;
	[tilespmem:$0x1C400] =	vst v63  }
0x98: {  	s15 =	rddreg [dreg:$0xc]  }
0x99: {  	[tilespmem:s25], [sflag:$0x1] =	stream.strided.gather [hbm4b:s21+s6], $0x100, s7, s6, $0x38;
	[tilespmem:$0x1C400] =	vst v63  }
0x9a: {  	[spmem:s15], [sflag:s16] =	dma.local [hbm:s9], $0x1000  }
0x9b: {  	[tilespmem:s11], [sflag:$0x3] =	stream.linear.gather [hbm4b:s9+s3], $0x4000, $0x38;
	[tilespmem:$0x1C400] =	vst v63  }
0x9c: {  	_ = 	snop  }
0x9d: {  	[tilespmem:s13], [sflag:$0x4] =	stream.linear.gather [hbm4b:s12+s3], $0x4000, $0x38;
	[tilespmem:$0x1C400] =	vst v63  }
0x9e: {  	_ = 	snop  }
0x9f: {  	[tilespmem:s14], [sflag:$0x5] =	stream.linear.gather [hbm4b:s9+s3], $0x4000, $0x38;
	[tilespmem:$0x1C400] =	vst v63  }
0xa0: {  	s15 =	simm.s32 $0x14400  }
0xa1: {  	[tilespmem:s15], [sflag:$0x6] =	stream.linear.gather [hbm4b:s12+s3], $0x4000, $0x38;
	[tilespmem:$0x1C400] =	vst v63  }
0xa2: {  	s16 =	simm.s32 $0x18400  }
0xa3: {  	[tilespmem:s16], [sflag:$0x7] =	stream.linear.gather [hbm4b:s9+s3], $0x4000, $0x38;
	[tilespmem:$0x1C400] =	vst v63  }
0xa4: {  	_ =	swait.ge [sflag:s17], $0x100  }
0xa5: {  	[sflag:s17] =	ssyncset.done $0x0  }
0xa6: {  	[sflag:s17] =	ssyncadd.s32 $0xFFFFFF00  }
0xa7: {  	_ =	swait.ge [sflag:s17], $0x100  }
0xa8: {  	[sflag:s17] =	ssyncset.done $0x0  }
0xa9: {  	[sflag:s17] =	ssyncadd.s32 $0xFFFFFF00  }
0xaa: {  	_ =	swait.ge [sflag:s17], $0x100  }
0xab: {  	[sflag:s17] =	ssyncset.done $0x0  }
0xac: {  	[sflag:s17] =	ssyncadd.s32 $0xFFFFFF00  }
0xad: {  	_ =	swait.ge [sflag:s17], $0x100  }
0xae: {  	[sflag:s17] =	ssyncset.done $0x0  }
0xaf: {  	[sflag:s17] =	ssyncadd.s32 $0xFFFFFF00  }
0xb0: {  	_ =	swait.ge [sflag:s18], $0x4000  }
0xb1: {  	[sflag:s18] =	ssyncset.done $0x0  }
0xb2: {  	[sflag:s18] =	ssyncadd.s32 $0xFFFFC000  }
0xb3: {  	[tilespmem:s11], [sflag:$0x8] =	stream.indirect.gather.add.f32 [hbm:s1], $0x80, s3, s6, $0xb8;
	[tilespmem:$0x1C400] =	vst v63  }
0xb4: {  	_ =	swait.ge [sflag:s19], $0x4000  }
0xb5: {  	[sflag:s19] =	ssyncset.done $0x0  }
0xb6: {  	[sflag:s19] =	ssyncadd.s32 $0xFFFFC000  }
0xb7: {  	[tilespmem:s13], [sflag:$0x9] =	stream.indirect.gather.add.f32 [hbm:s1], $0x80, s6, s6, $0xb8;
	[tilespmem:$0x1C400] =	vst v63  }
0xb8: {  	_ =	swait.ge [sflag:s20], $0x4000  }
0xb9: {  	[sflag:s20] =	ssyncset.done $0x0  }
0xba: {  	s21 =	simm.s32 $0x6;
	[sflag:s20] =	ssyncadd.s32 $0xFFFFC000  }
0xbb: {  	[tilespmem:s14], [sflag:$0xA] =	stream.indirect.gather.add.f32 [hbm:s1], $0x80, s22, s6, $0xb8;
	[tilespmem:$0x1C400] =	vst v63  }
0xbc: {  	_ =	swait.ge [sflag:s21], $0x4000  }
0xbd: {  	[sflag:s21] =	ssyncset.done $0x0  }
0xbe: {  	s4 =	rddreg [dreg:$0xd];
	[sflag:s21] =	ssyncadd.s32 $0xFFFFC000;
	s21 =	simm.s32 $0x7  }
0xbf: {  	[tilespmem:s15], [sflag:$0xB] =	stream.indirect.gather.add.f32 [hbm:s1], $0x80, s4, s6, $0xb8;
	[tilespmem:$0x1C400] =	vst v63  }
0xc0: {  	_ =	swait.ge [sflag:s21], $0x4000  }
0xc1: {  	[sflag:s21] =	ssyncset.done $0x0  }
0xc2: {  	[sflag:s21] =	ssyncadd.s32 $0xFFFFC000  }
0xc3: {  	[tilespmem:s16], [sflag:$0xC] =	stream.indirect.gather.add.f32 [hbm:s1], $0x80, s7, s6, $0xb8;
	[tilespmem:$0x1C400] =	vst v63  }
0xc4: {  	_ =	swait.ge [sflag:s23], $0x4000  }
0xc5: {  	[sflag:s23] =	ssyncset.done $0x0  }
0xc6: {  	s21 =	rddreg [dreg:$0xa];
	[sflag:s23] =	ssyncadd.s32 $0xFFFFC000  }
0xc7: {  	[hbm4b:s21+s3] =	stream.linear.scatter [tilespmem:s11], [sflag:$0xD], $0x4000, $0x38;
	[tilespmem:$0x1C400] =	vst v63  }
0xc8: {  	_ =	swait.ge [sflag:s24], $0x4000  }
0xc9: {  	[sflag:s24] =	ssyncset.done $0x0  }
0xca: {  	s21 =	simm.s32 $0x2;
	[sflag:s24] =	ssyncadd.s32 $0xFFFFC000  }
0xcb: {  	_ =	swait.ge [sflag:s21], $0x1000  }
0xcc: {  	[sflag:s21] =	ssyncset.done $0x0  }
0xcd: {  	[sflag:s21] =	ssyncadd.s32 $0xFFFFF000  }
0xce: {  	[tilespmem:s11], [sflag:$0x3] =	stream.linear.gather [spmem:s26], $0x4000, $0x38;
	[tilespmem:$0x1C400] =	vst v63  }
0xcf: {  	_ =	swait.ge [sflag:s18], $0x4000  }
0xd0: {  	[sflag:s18] =	ssyncset.done $0x0  }
0xd1: {  	s21 =	rddreg [dreg:$0xe];
	[sflag:s18] =	ssyncadd.s32 $0xFFFFC000  }
0xd2: {  	[tilespmem:s11], [sflag:$0x8] =	stream.indirect.gather.add.f32 [hbm:s1], $0x80, s21, s6, $0xb8;
	[tilespmem:$0x1C400] =	vst v63  }
0xd3: {  	_ =	swait.ge [sflag:s28], $0x4000  }
0xd4: {  	[sflag:s28] =	ssyncset.done $0x0  }
0xd5: {  	s21 =	rddreg [dreg:$0xb];
	[sflag:s28] =	ssyncadd.s32 $0xFFFFC000  }
0xd6: {  	[hbm4b:s21+s3] =	stream.linear.scatter [tilespmem:s13], [sflag:$0xE], $0x4000, $0x38;
	[tilespmem:$0x1C400] =	vst v63  }
0xd7: {  	_ =	swait.ge [sflag:s29], $0x4000  }
0xd8: {  	[sflag:s29] =	ssyncset.done $0x0  }
0xd9: {  	s21 =	rddreg [dreg:$0x11];
	[sflag:s29] =	ssyncadd.s32 $0xFFFFC000  }
0xda: {  	[tilespmem:s13], [sflag:$0x4] =	stream.linear.gather [spmem:s21], $0x4000, $0x38;
	[tilespmem:$0x1C400] =	vst v63  }
0xdb: {  	_ =	swait.ge [sflag:s19], $0x4000  }
0xdc: {  	[sflag:s19] =	ssyncset.done $0x0  }
0xdd: {  	[sflag:s19] =	ssyncadd.s32 $0xFFFFC000  }
0xde: {  	[tilespmem:s13], [sflag:$0x9] =	stream.indirect.gather.add.f32 [hbm:s1], $0x80, s25, s6, $0xb8;
	[tilespmem:$0x1C400] =	vst v63  }
0xdf: {  	_ =	swait.ge [sflag:s30], $0x4000  }
0xe0: {  	[sflag:s30] =	ssyncset.done $0x0  }
0xe1: {  	s21 =	rddreg [dreg:$0x12];
	[sflag:s30] =	ssyncadd.s32 $0xFFFFC000  }
0xe2: {  	[hbm4b:s21+s3] =	stream.linear.scatter [tilespmem:s14], [sflag:$0xF], $0x4000, $0x38;
	[tilespmem:$0x1C400] =	vst v63  }
0xe3: {  	_ =	swait.ge [sflag:s2], $0x4000  }
0xe4: {  	[sflag:s2] =	ssyncset.done $0x0  }
0xe5: {  	[sflag:s2] =	ssyncadd.s32 $0xFFFFC000  }
0xe6: {  	[tilespmem:s14], [sflag:$0x5] =	stream.linear.gather [spmem:s26], $0x4000, $0x38;
	[tilespmem:$0x1C400] =	vst v63  }
0xe7: {  	_ =	swait.ge [sflag:s20], $0x4000  }
0xe8: {  	[sflag:s20] =	ssyncset.done $0x0  }
0xe9: {  	s21 =	rddreg [dreg:$0xf];
	[sflag:s20] =	ssyncadd.s32 $0xFFFFC000  }
0xea: {  	[tilespmem:s14], [sflag:$0xA] =	stream.indirect.gather.add.f32 [hbm:s1], $0x80, s21, s6, $0xb8;
	[tilespmem:$0x1C400] =	vst v63  }
0xeb: {  	_ =	swait.ge [sflag:s0], $0x4000  }
0xec: {  	[sflag:s0] =	ssyncset.done $0x0  }
0xed: {  	s21 =	rddreg [dreg:$0x13];
	[sflag:s0] =	ssyncadd.s32 $0xFFFFC000  }
0xee: {  	[hbm4b:s21+s3] =	stream.linear.scatter [tilespmem:s15], [sflag:$0x10], $0x4000, $0x38;
	[tilespmem:$0x1C400] =	vst v63  }
0xef: {  	_ =	swait.ge [sflag:s5], $0x4000  }
0xf0: {  	[sflag:s5] =	ssyncset.done $0x0  }
0xf1: {  	s21 =	rddreg [dreg:$0x14];
	[sflag:s5] =	ssyncadd.s32 $0xFFFFC000  }
0xf2: {  	[hbm4b:s21+s3] =	stream.linear.scatter [tilespmem:s16], [sflag:$0x11], $0x4000, $0x38;
	[tilespmem:$0x1C400] =	vst v63  }
0xf3: {  	_ =	swait.ge [sflag:s23], $0x4000  }
0xf4: {  	[sflag:s23] =	ssyncset.done $0x0  }
0xf5: {  	s15 =	rddreg [dreg:$0x15];
	[sflag:s23] =	ssyncadd.s32 $0xFFFFC000  }
0xf6: {  	[hbm4b:s15+s3] =	stream.linear.scatter [tilespmem:s11], [sflag:$0xD], $0x4000, $0x38;
	[tilespmem:$0x1C400] =	vst v63  }
0xf7: {  	_ =	swait.ge [sflag:s28], $0x4000  }
0xf8: {  	[sflag:s28] =	ssyncset.done $0x0  }
0xf9: {  	s16 =	rddreg [dreg:$0x16];
	[sflag:s28] =	ssyncadd.s32 $0xFFFFC000  }
0xfa: {  	[hbm4b:s16+s3] =	stream.linear.scatter [tilespmem:s13], [sflag:$0xE], $0x4000, $0x38;
	[tilespmem:$0x1C400] =	vst v63  }
0xfb: {  	_ =	swait.ge [sflag:s30], $0x4000  }
0xfc: {  	[sflag:s30] =	ssyncset.done $0x0  }
0xfd: {  	s21 =	rddreg [dreg:$0x17];
	[sflag:s30] =	ssyncadd.s32 $0xFFFFC000  }
0xfe: {  	[hbm4b:s21+s3] =	stream.linear.scatter [tilespmem:s14], [sflag:$0xF], $0x4000, $0x38;
	[tilespmem:$0x1C400] =	vst v63  }
0xff: {  	_ =	swait.ge [sflag:s24], $0x4000  }
0x100: {  	[sflag:s24] =	ssyncset.done $0x0  }
0x101: {  	[sflag:s24] =	ssyncadd.s32 $0xFFFFC000  }
0x102: {  	_ =	swait.ge [sflag:s29], $0x4000  }
0x103: {  	[sflag:s29] =	ssyncset.done $0x0  }
0x104: {  	[sflag:s29] =	ssyncadd.s32 $0xFFFFC000  }
0x105: {  	p0 =	sne.s32 s31, $0x1;
	_ =	swait.ge [sflag:s2], $0x4000  }
.Ltmp1:
0x106: {  	[sflag:s2] =	ssyncset.done $0x0;
	(pc) =	sbr.rel @p0 .LBB2_2-.Ltmp1, $4  }
0x107: {  	[sflag:s2] =	ssyncadd.s32 $0xFFFFC000  }
0x108: {  	_ =	swait.ge [sflag:s8], $0x4000  }
0x109: {  	[sflag:s8] =	ssyncset.done $0x0  }
0x10a: {  	s31 =	sadd.s32 $0xFFFFFFFF, s31;
	[sflag:s8] =	ssyncadd.s32 $0xFFFFC000  }
.LBB2_3:
0x10b: {  	_ =	swait.ge [sflag:s10], $0x4000  }
0x10c: {  	[sflag:s10] =	ssyncset.done $0x0  }
0x10d: {  	[sflag:s10] =	ssyncadd.s32 $0xFFFFC000  }
0x10e: {  	_ =	sfence.sel $0x180000  }
0x10f: {  	[bflag:$0x0] =	sbarrier.arrive $0xFFFF  }
0x110: {  	_ =	strace $0x90000047  }
0x111: {  	s0 =	stileid.u32;
	[bflag:$0x2] =	sbarrier.arrive $0xFFFF  }
0x112: {  	p0 =	sne.s32 s0, $0x0;
	s0 =	rddreg [dreg:$0x5]  }
0x113: {  	s0 =	sadd.s32 @!p0 $0x100000, s0  }
0x114: {  	[sflag:s0] =	ssyncadd.tile.s32 @!p0 $0x1;
	_ =	shalt  }
.Lfunc_end2:
_tile_overlayer_lowered:
.L_overlay_start_2:
0x115: {  	(tag) =	ssettag $0x2  }
0x116: {  	s0 =	rddreg [dreg:$0x0];
	s2 =	stileid.u32  }
0x117: {  	s1 =	rddreg [dreg:$0x1];
	p0 =	sne.s32 s2, $0x0  }
0x118: {  	s3 =	rddreg [dreg:$0x2];
	[bflag:$0x3] =	sbarrier.arrive $0xFFFF;
	s2 =	simm.s32 @!p0 $0x1C12  }
0x119: {  	[timem:s3], [sflag:s2] =	dma.local @!p0 [hbm:s0], s1  }
0x11a: {  	s0 =	simm.s32 @!p0 $0x12  }
0x11b: {  	_ =	swait.ge @!p0 [sflag:s0], s1  }
0x11c: {  	s1 =	ssub.s32 @!p0 $0x0, s1;
	[sflag:s0] =	ssyncset.done @!p0 $0x0  }
0x11d: {  	[sflag:s0] =	ssyncadd.s32 @!p0 s1  }
0x11e: {  	[bflag:$0x3] =	sbarrier.arrive $0xFFFF  }
0x11f: {  	_ =	shalt  }

</sc_bundles>
